<compile_context>
chip_gen: v7x
topology: tpu7x:2x2x1
jax: 0.10.2.dev20260603
libtpu: 0.0.44.dev20260713+nightly
codegen_flags: <defaults>
</compile_context>

<pallas_src>
import functools

import jax
import jax.numpy as jnp
from jax import lax
from jax.experimental import pallas as pl
from jax.experimental.pallas import tpu as pltpu
from jax.experimental.pallas import tpu_sc as plsc

N_NODES = 10000
DIM = 256
QUART = 64
N_SEG = 10000
N_ENTRIES = 160000

NC = 2
NS = 16
L = 16

CHUNK = 128
NBUF = 4
SEG_PAD = 10112
SEG_CHUNKS = SEG_PAD // CHUNK
N_CHUNKS = 80
E_PER_SUB = N_CHUNKS * CHUNK
E_PAD = NS * E_PER_SUB

_mesh = plsc.VectorSubcoreMesh(core_axis_name="c", subcore_axis_name="s")


@jax.jit
def _sc_aggregate(table4, nid, sid, zeros_hbm):
    @functools.partial(
        pl.kernel,
        out_type=jax.ShapeDtypeStruct((N_SEG, DIM), jnp.float32),
        mesh=_mesh,
        compiler_params=pltpu.CompilerParams(use_tc_tiling_on_sc=False),
        scratch_types=[
            pltpu.VMEM((N_CHUNKS, CHUNK), jnp.int32),
            pltpu.VMEM((N_CHUNKS, CHUNK), jnp.int32),
            [pltpu.VMEM((CHUNK, QUART), jnp.float32)] * NBUF,
            pltpu.VMEM((CHUNK, QUART), jnp.float32),
            pltpu.VMEM((CHUNK, L), jnp.float32),
            pltpu.VMEM((CHUNK, L), jnp.float32),
            pltpu.VMEM_SHARED((SEG_PAD, QUART), jnp.float32),
            pltpu.VMEM_SHARED((SEG_PAD, L), jnp.float32),
            [pltpu.SemaphoreType.DMA] * NBUF,
            [pltpu.SemaphoreType.DMA] * NBUF,
            [pltpu.SemaphoreType.DMA] * NBUF,
        ],
    )
    def k(table_hbm, nid_hbm, sid_hbm, zeros_ref, out_hbm,
          nid_v, sid_v, rows, fin_v, ones_v, cnt_v, acc_sh, cnt_sh,
          gsem, ssem, csem):
        cid = lax.axis_index("c")
        sub = lax.axis_index("s")

        zero16 = jnp.zeros((L,), jnp.float32)
        one16 = jnp.ones((L,), jnp.float32)

        pltpu.sync_copy(nid_hbm.at[sub], nid_v)
        pltpu.sync_copy(sid_hbm.at[sub], sid_v)

        @pl.loop(0, CHUNK)
        def _(i):
            ones_v[i, pl.ds(0, L)] = one16
            cnt_v[i, pl.ds(0, L)] = zero16

        def adjust_indices(delta):
            @pl.loop(0, N_CHUNKS)
            def _(c):
                for j in range(CHUNK // L):
                    nid_v[c, pl.ds(j * L, L)] = (
                        nid_v[c, pl.ds(j * L, L)] + delta)

        def prime_gathers():
            for b in range(NBUF):
                pltpu.async_copy(table_hbm.at[nid_v.at[b]], rows[b], gsem[b])

        def accumulate(with_counts):
            @pl.loop(0, N_CHUNKS // NBUF)
            def _(z):
                for b in range(NBUF):
                    c = z * NBUF + b
                    pb = (b - 1) % NBUF
                    pltpu.make_async_copy(
                        table_hbm.at[nid_v.at[c]], rows[b], gsem[b]).wait()
                    pltpu.async_copy(rows[b], acc_sh.at[sid_v.at[c]],
                                     ssem[b], add=True)
                    if with_counts:
                        @pl.when(z > 0)
                        def _():
                            pltpu.make_async_copy(
                                ones_v, cnt_sh.at[sid_v.at[c]],
                                csem[b]).wait()

                        pltpu.async_copy(ones_v, cnt_sh.at[sid_v.at[c]],
                                         csem[b], add=True)

                    pc = jnp.maximum(c - 1, 0)
                    nxt = jnp.minimum(c - 1 + NBUF, N_CHUNKS - 1)

                    @pl.when(c > 0)
                    def _():
                        pltpu.make_async_copy(
                            rows[pb], acc_sh.at[sid_v.at[pc]],
                            ssem[pb]).wait()

                        @pl.when(c - 1 + NBUF < N_CHUNKS)
                        def _():
                            pltpu.async_copy(table_hbm.at[nid_v.at[nxt]],
                                             rows[pb], gsem[pb])

            lastb = (N_CHUNKS - 1) % NBUF
            pltpu.make_async_copy(
                rows[lastb], acc_sh.at[sid_v.at[N_CHUNKS - 1]],
                ssem[lastb]).wait()

            if with_counts:
                for b in range(NBUF):
                    pltpu.make_async_copy(
                        ones_v, cnt_sh.at[sid_v.at[0]], csem[b]).wait()

        def finalize(quart, rezero):
            @pl.loop(0, pl.cdiv(SEG_CHUNKS, NS))
            def _(f):
                t = f * NS + sub

                @pl.when(t < SEG_CHUNKS)
                def _():
                    base = t * CHUNK
                    pltpu.sync_copy(acc_sh.at[pl.ds(base, CHUNK)], fin_v)
                    pltpu.sync_copy(cnt_sh.at[pl.ds(base, CHUNK)], cnt_v)
                    if rezero:
                        pltpu.sync_copy(zeros_ref,
                                        acc_sh.at[pl.ds(base, CHUNK)])

                    @pl.loop(0, CHUNK)
                    def _(i):
                        cnt = cnt_v[i, pl.ds(0, L)]
                        inv = 1.0 / jnp.maximum(cnt, 1.0)
                        for j in range(QUART // L):
                            fin_v[i, pl.ds(j * L, L)] = (
                                fin_v[i, pl.ds(j * L, L)] * inv)

                    col = quart * QUART
                    TAIL = N_SEG - (SEG_CHUNKS - 1) * CHUNK

                    @pl.when(t < SEG_CHUNKS - 1)
                    def _():
                        pltpu.sync_copy(
                            fin_v,
                            out_hbm.at[pl.ds(base, CHUNK),
                                       pl.ds(col, QUART)])

                    @pl.when(t == SEG_CHUNKS - 1)
                    def _():
                        pltpu.sync_copy(
                            fin_v.at[pl.ds(0, TAIL)],
                            out_hbm.at[pl.ds(base, TAIL),
                                       pl.ds(col, QUART)])

        adjust_indices(2 * cid)
        prime_gathers()

        @pl.loop(0, pl.cdiv(SEG_CHUNKS, NS))
        def _(z):
            t = z * NS + sub

            @pl.when(t < SEG_CHUNKS)
            def _():
                pltpu.sync_copy(zeros_ref, acc_sh.at[pl.ds(t * CHUNK, CHUNK)])
                pltpu.sync_copy(cnt_v, cnt_sh.at[pl.ds(t * CHUNK, CHUNK)])

        plsc.subcore_barrier()
        accumulate(True)
        adjust_indices(1)
        prime_gathers()
        plsc.subcore_barrier()
        finalize(2 * cid, True)
        plsc.subcore_barrier()
        accumulate(False)
        plsc.subcore_barrier()
        finalize(2 * cid + 1, False)

    return k(table4, nid, sid, zeros_hbm)


def kernel(embedding_table, node_ids, segment_ids):
    table4 = embedding_table.reshape(4 * N_NODES, QUART)
    nid = node_ids.astype(jnp.int32) * 4
    sid = segment_ids.astype(jnp.int32)
    pad = E_PAD - N_ENTRIES
    nid = jnp.concatenate([nid, jnp.zeros((pad,), jnp.int32)])
    sid = jnp.concatenate([sid, jnp.full((pad,), N_SEG, jnp.int32)])
    nid = nid.reshape(NS, N_CHUNKS, CHUNK)
    sid = sid.reshape(NS, N_CHUNKS, CHUNK)
    zeros_hbm = jnp.zeros((CHUNK, QUART), jnp.float32)
    return _sc_aggregate(table4, nid, sid, zeros_hbm)

# --- scband reference (transcript-rebuilt; emitter-appended) ---
"""Pipeline reference for scband-hyperedge-mean-aggregator-73469710565692 (READ-ONLY COPY).

The authoritative reference and input builder live on the scoring server;
editing this copy changes nothing except your own understanding.
"""

import jax, jax.numpy as jnp
import numpy as np

NUM_NODES = 10000
EMBED_DIM = 256
NUM_HYPEREDGES = 10000
NUM_ENTRIES = 160000

def setup_inputs(seed: int = 0) -> dict:
    key = jax.random.key(seed)
    k1, k2, k3 = jax.random.split(key, 3)
    embedding_table = jax.random.normal(k1, (NUM_NODES, EMBED_DIM), dtype=jnp.float32)
    node_ids = jax.random.randint(k2, (NUM_ENTRIES,), 0, NUM_NODES, dtype=jnp.int64)
    segment_ids = jnp.sort(jax.random.randint(k3, (NUM_ENTRIES,), 0, NUM_HYPEREDGES, dtype=jnp.int64))
    return {"embedding_table": embedding_table, "node_ids": node_ids, "segment_ids": segment_ids}

def reference(embedding_table, node_ids, segment_ids):
    # Equivalent to the normalized incidence-mask matmul in the torch module:
    # for each hyperedge, mean of its member nodes' embeddings.
    gathered = jnp.take(embedding_table, node_ids, axis=0)            # [N_entries, D] gather
    sums = jax.ops.segment_sum(gathered, segment_ids, num_segments=NUM_HYPEREDGES)  # scatter-add
    counts = jax.ops.segment_sum(jnp.ones((node_ids.shape[0],), dtype=embedding_table.dtype), segment_ids, num_segments=NUM_HYPEREDGES)
    means = sums / jnp.maximum(counts, 1.0)[:, None]
    return means

if __name__ == "__main__":
    import jax
    _d = setup_inputs()
    print(jax.jit(kernel)(*tuple(_d.values())))

</pallas_src>

<mosaic_0001>
#map = affine_map<(d0, d1) -> (0, 0)>
#map1 = affine_map<(d0, d1) -> (0, 0, 0)>
module attributes {stable_mosaic.version = 14 : i64} {
  func.func @k(%arg0: i32, %arg1: i32, %arg2: memref<40000x64xf32, #tpu.memory_space<hbm>>, %arg3: memref<16x80x128xi32, #tpu.memory_space<hbm>>, %arg4: memref<16x80x128xi32, #tpu.memory_space<hbm>>, %arg5: memref<128x64xf32, #tpu.memory_space<hbm>>, %arg6: memref<10000x256xf32, #tpu.memory_space<hbm>>, %arg7: memref<80x128xi32, #tpu.memory_space<vmem>>, %arg8: memref<80x128xi32, #tpu.memory_space<vmem>>, %arg9: memref<128x64xf32, #tpu.memory_space<vmem>>, %arg10: memref<128x64xf32, #tpu.memory_space<vmem>>, %arg11: memref<128x64xf32, #tpu.memory_space<vmem>>, %arg12: memref<128x64xf32, #tpu.memory_space<vmem>>, %arg13: memref<128x64xf32, #tpu.memory_space<vmem>>, %arg14: memref<128x16xf32, #tpu.memory_space<vmem>>, %arg15: memref<128x16xf32, #tpu.memory_space<vmem>>, %arg16: memref<10112x64xf32, #tpu.memory_space<vmem_shared>>, %arg17: memref<10112x16xf32, #tpu.memory_space<vmem_shared>>, %arg18: memref<!tpu.dma_semaphore, #tpu.memory_space<semaphore_mem>>, %arg19: memref<!tpu.dma_semaphore, #tpu.memory_space<semaphore_mem>>, %arg20: memref<!tpu.dma_semaphore, #tpu.memory_space<semaphore_mem>>, %arg21: memref<!tpu.dma_semaphore, #tpu.memory_space<semaphore_mem>>, %arg22: memref<!tpu.dma_semaphore, #tpu.memory_space<semaphore_mem>>, %arg23: memref<!tpu.dma_semaphore, #tpu.memory_space<semaphore_mem>>, %arg24: memref<!tpu.dma_semaphore, #tpu.memory_space<semaphore_mem>>, %arg25: memref<!tpu.dma_semaphore, #tpu.memory_space<semaphore_mem>>, %arg26: memref<!tpu.dma_semaphore, #tpu.memory_space<semaphore_mem>>, %arg27: memref<!tpu.dma_semaphore, #tpu.memory_space<semaphore_mem>>, %arg28: memref<!tpu.dma_semaphore, #tpu.memory_space<semaphore_mem>>, %arg29: memref<!tpu.dma_semaphore, #tpu.memory_space<semaphore_mem>>) attributes {dimension_semantics = [#tpu.dimension_semantics<core_parallel>, #tpu.dimension_semantics<subcore_parallel>], iteration_bounds = array<i64: 2, 16>, scalar_prefetch = 0 : i64, scratch_operands = 23 : i64, tpu.core_type = #tpu.core_type<sc_vector_subcore>, window_params = [{transform_indices = #map}, {transform_indices = #map1}, {transform_indices = #map1}, {transform_indices = #map}, {transform_indices = #map}]} {
    %broadcast_in_dim3A = arith.constant 0.000000e+00 : f32
    %broadcast_in_dim3A_0 = vector.broadcast %broadcast_in_dim3A : f32 to vector<16xf32>
    %broadcast_in_dim3A_1 = arith.constant 1.000000e+00 : f32
    %broadcast_in_dim3A_2 = vector.broadcast %broadcast_in_dim3A_1 : f32 to vector<16xf32>
    "tpu.region"() ({
      %run_scoped3A = tpu.sem_alloc : memref<!tpu.dma_semaphore, #tpu.memory_space<semaphore_mem>>
      %dma_start3A_147 = arith.constant 0 : i32
      %dma_start3A_148 = arith.constant 0 : i32
      %dma_start3A_149 = tpu.memref_slice %arg3[%arg1, %dma_start3A_147, %dma_start3A_148] : memref<16x80x128xi32, #tpu.memory_space<hbm>> -> memref<1x80x128xi32, #tpu.memory_space<hbm>>
      %dma_start3A_150 = tpu.memref_squeeze %dma_start3A_149 : memref<1x80x128xi32, #tpu.memory_space<hbm>> -> memref<80x128xi32, #tpu.memory_space<hbm>>
      %dma_start3A_151 = arith.constant 0 : i32
      %dma_start3A_152 = arith.constant 0 : i32
      %dma_start3A_153 = tpu.memref_slice %arg3[%arg1, %dma_start3A_151, %dma_start3A_152] : memref<16x80x128xi32, #tpu.memory_space<hbm>> -> memref<1x80x128xi32, #tpu.memory_space<hbm>>
      %dma_start3A_154 = tpu.memref_squeeze %dma_start3A_153 : memref<1x80x128xi32, #tpu.memory_space<hbm>> -> memref<80x128xi32, #tpu.memory_space<hbm>>
      tpu.enqueue_dma source(%dma_start3A_154 : memref<80x128xi32, #tpu.memory_space<hbm>>) target(%arg7 : memref<80x128xi32, #tpu.memory_space<vmem>>) target_semaphore(%run_scoped3A : memref<!tpu.dma_semaphore, #tpu.memory_space<semaphore_mem>>)
      %dma_wait3A_155 = arith.constant 0 : i32
      %dma_wait3A_156 = arith.constant 0 : i32
      %dma_wait3A_157 = tpu.memref_slice %arg3[%arg1, %dma_wait3A_155, %dma_wait3A_156] : memref<16x80x128xi32, #tpu.memory_space<hbm>> -> memref<1x80x128xi32, #tpu.memory_space<hbm>>
      %dma_wait3A_158 = tpu.memref_squeeze %dma_wait3A_157 : memref<1x80x128xi32, #tpu.memory_space<hbm>> -> memref<80x128xi32, #tpu.memory_space<hbm>>
      %dma_wait3A_159 = arith.constant 0 : i32
      %dma_wait3A_160 = arith.constant 0 : i32
      %dma_wait3A_161 = tpu.memref_slice %arg3[%arg1, %dma_wait3A_159, %dma_wait3A_160] : memref<16x80x128xi32, #tpu.memory_space<hbm>> -> memref<1x80x128xi32, #tpu.memory_space<hbm>>
      %dma_wait3A_162 = tpu.memref_squeeze %dma_wait3A_161 : memref<1x80x128xi32, #tpu.memory_space<hbm>> -> memref<80x128xi32, #tpu.memory_space<hbm>>
      tpu.wait_dma2 semaphore(%run_scoped3A : memref<!tpu.dma_semaphore, #tpu.memory_space<semaphore_mem>>) src(%dma_wait3A_162 : memref<80x128xi32, #tpu.memory_space<hbm>>) dst(%arg7 : memref<80x128xi32, #tpu.memory_space<vmem>>)
      tpu.yield
    }) : () -> ()
    "tpu.region"() ({
      %run_scoped3A = tpu.sem_alloc : memref<!tpu.dma_semaphore, #tpu.memory_space<semaphore_mem>>
      %dma_start3A_147 = arith.constant 0 : i32
      %dma_start3A_148 = arith.constant 0 : i32
      %dma_start3A_149 = tpu.memref_slice %arg4[%arg1, %dma_start3A_147, %dma_start3A_148] : memref<16x80x128xi32, #tpu.memory_space<hbm>> -> memref<1x80x128xi32, #tpu.memory_space<hbm>>
      %dma_start3A_150 = tpu.memref_squeeze %dma_start3A_149 : memref<1x80x128xi32, #tpu.memory_space<hbm>> -> memref<80x128xi32, #tpu.memory_space<hbm>>
      %dma_start3A_151 = arith.constant 0 : i32
      %dma_start3A_152 = arith.constant 0 : i32
      %dma_start3A_153 = tpu.memref_slice %arg4[%arg1, %dma_start3A_151, %dma_start3A_152] : memref<16x80x128xi32, #tpu.memory_space<hbm>> -> memref<1x80x128xi32, #tpu.memory_space<hbm>>
      %dma_start3A_154 = tpu.memref_squeeze %dma_start3A_153 : memref<1x80x128xi32, #tpu.memory_space<hbm>> -> memref<80x128xi32, #tpu.memory_space<hbm>>
      tpu.enqueue_dma source(%dma_start3A_154 : memref<80x128xi32, #tpu.memory_space<hbm>>) target(%arg8 : memref<80x128xi32, #tpu.memory_space<vmem>>) target_semaphore(%run_scoped3A : memref<!tpu.dma_semaphore, #tpu.memory_space<semaphore_mem>>)
      %dma_wait3A_155 = arith.constant 0 : i32
      %dma_wait3A_156 = arith.constant 0 : i32
      %dma_wait3A_157 = tpu.memref_slice %arg4[%arg1, %dma_wait3A_155, %dma_wait3A_156] : memref<16x80x128xi32, #tpu.memory_space<hbm>> -> memref<1x80x128xi32, #tpu.memory_space<hbm>>
      %dma_wait3A_158 = tpu.memref_squeeze %dma_wait3A_157 : memref<1x80x128xi32, #tpu.memory_space<hbm>> -> memref<80x128xi32, #tpu.memory_space<hbm>>
      %dma_wait3A_159 = arith.constant 0 : i32
      %dma_wait3A_160 = arith.constant 0 : i32
      %dma_wait3A_161 = tpu.memref_slice %arg4[%arg1, %dma_wait3A_159, %dma_wait3A_160] : memref<16x80x128xi32, #tpu.memory_space<hbm>> -> memref<1x80x128xi32, #tpu.memory_space<hbm>>
      %dma_wait3A_162 = tpu.memref_squeeze %dma_wait3A_161 : memref<1x80x128xi32, #tpu.memory_space<hbm>> -> memref<80x128xi32, #tpu.memory_space<hbm>>
      tpu.wait_dma2 semaphore(%run_scoped3A : memref<!tpu.dma_semaphore, #tpu.memory_space<semaphore_mem>>) src(%dma_wait3A_162 : memref<80x128xi32, #tpu.memory_space<hbm>>) dst(%arg8 : memref<80x128xi32, #tpu.memory_space<vmem>>)
      tpu.yield
    }) : () -> ()
    %scan3A = arith.constant 0 : i32
    %scan3A_3 = arith.constant 128 : i32
    %scan3A_4 = arith.addi %scan3A, %scan3A_3 : i32
    %scan3A_5 = arith.constant 1 : i32
    scf.for %scan3A_147 = %scan3A to %scan3A_4 step %scan3A_5  : i32 {
      %mul3A_148 = arith.constant 1 : i32
      %mul3A_149 = arith.muli %scan3A_147, %mul3A_148 : i32
      %add3A_150 = arith.constant 0 : i32
      %add3A_151 = arith.addi %add3A_150, %mul3A_149 : i32
      %swap3A = arith.index_cast %add3A_151 : i32 to index
      %swap3A_152 = arith.constant 0 : index
      %swap3A_153 = tpu.vector_load %arg14[%swap3A, %swap3A_152] {strides = array<i32>} : memref<128x16xf32, #tpu.memory_space<vmem>>, vector<1x16xf32>,
      %swap3A_154 = vector.shape_cast %swap3A_153 : vector<1x16xf32> to vector<16xf32>
      %swap3A_155 = vector.shape_cast %broadcast_in_dim3A_2 : vector<16xf32> to vector<1x16xf32>
      tpu.vector_store %arg14[%swap3A, %swap3A_152], %swap3A_155 {strides = array<i32>} : memref<128x16xf32, #tpu.memory_space<vmem>>, vector<1x16xf32>,
      %swap3A_156 = arith.index_cast %add3A_151 : i32 to index
      %swap3A_157 = arith.constant 0 : index
      %swap3A_158 = tpu.vector_load %arg15[%swap3A_156, %swap3A_157] {strides = array<i32>} : memref<128x16xf32, #tpu.memory_space<vmem>>, vector<1x16xf32>,
      %swap3A_159 = vector.shape_cast %swap3A_158 : vector<1x16xf32> to vector<16xf32>
      %swap3A_160 = vector.shape_cast %broadcast_in_dim3A_0 : vector<16xf32> to vector<1x16xf32>
      tpu.vector_store %arg15[%swap3A_156, %swap3A_157], %swap3A_160 {strides = array<i32>} : memref<128x16xf32, #tpu.memory_space<vmem>>, vector<1x16xf32>,
    }
    %scan3A_6 = arith.constant 128 : i32
    %mul3A = arith.constant 2 : i32
    %mul3A_7 = arith.muli %mul3A, %arg0 : i32
    %scan3A_8 = arith.constant 0 : i32
    %scan3A_9 = arith.constant 80 : i32
    %scan3A_10 = arith.addi %scan3A_8, %scan3A_9 : i32
    %scan3A_11 = arith.constant 1 : i32
    scf.for %scan3A_147 = %scan3A_8 to %scan3A_10 step %scan3A_11  : i32 {
      %mul3A_148 = arith.constant 1 : i32
      %mul3A_149 = arith.muli %scan3A_147, %mul3A_148 : i32
      %add3A_150 = arith.constant 0 : i32
      %add3A_151 = arith.addi %add3A_150, %mul3A_149 : i32
      %get3A = arith.index_cast %add3A_151 : i32 to index
      %get3A_152 = arith.constant 0 : index
      %get3A_153 = tpu.vector_load %arg7[%get3A, %get3A_152] {strides = array<i32>} : memref<80x128xi32, #tpu.memory_space<vmem>>, vector<1x16xi32>,
      %get3A_154 = vector.shape_cast %get3A_153 : vector<1x16xi32> to vector<16xi32>
      %add3A_155 = vector.broadcast %mul3A_7 : i32 to vector<16xi32>
      %add3A_156 = arith.addi %get3A_154, %add3A_155 : vector<16xi32>
      %swap3A = arith.index_cast %add3A_151 : i32 to index
      %swap3A_157 = arith.constant 0 : index
      %swap3A_158 = tpu.vector_load %arg7[%swap3A, %swap3A_157] {strides = array<i32>} : memref<80x128xi32, #tpu.memory_space<vmem>>, vector<1x16xi32>,
      %swap3A_159 = vector.shape_cast %swap3A_158 : vector<1x16xi32> to vector<16xi32>
      %swap3A_160 = vector.shape_cast %add3A_156 : vector<16xi32> to vector<1x16xi32>
      tpu.vector_store %arg7[%swap3A, %swap3A_157], %swap3A_160 {strides = array<i32>} : memref<80x128xi32, #tpu.memory_space<vmem>>, vector<1x16xi32>,
      %get3A_161 = arith.index_cast %add3A_151 : i32 to index
      %get3A_162 = arith.constant 16 : index
      %get3A_163 = tpu.vector_load %arg7[%get3A_161, %get3A_162] {strides = array<i32>} : memref<80x128xi32, #tpu.memory_space<vmem>>, vector<1x16xi32>,
      %get3A_164 = vector.shape_cast %get3A_163 : vector<1x16xi32> to vector<16xi32>
      %add3A_165 = vector.broadcast %mul3A_7 : i32 to vector<16xi32>
      %add3A_166 = arith.addi %get3A_164, %add3A_165 : vector<16xi32>
      %swap3A_167 = arith.index_cast %add3A_151 : i32 to index
      %swap3A_168 = arith.constant 16 : index
      %swap3A_169 = tpu.vector_load %arg7[%swap3A_167, %swap3A_168] {strides = array<i32>} : memref<80x128xi32, #tpu.memory_space<vmem>>, vector<1x16xi32>,
      %swap3A_170 = vector.shape_cast %swap3A_169 : vector<1x16xi32> to vector<16xi32>
      %swap3A_171 = vector.shape_cast %add3A_166 : vector<16xi32> to vector<1x16xi32>
      tpu.vector_store %arg7[%swap3A_167, %swap3A_168], %swap3A_171 {strides = array<i32>} : memref<80x128xi32, #tpu.memory_space<vmem>>, vector<1x16xi32>,
      %get3A_172 = arith.index_cast %add3A_151 : i32 to index
      %get3A_173 = arith.constant 32 : index
      %get3A_174 = tpu.vector_load %arg7[%get3A_172, %get3A_173] {strides = array<i32>} : memref<80x128xi32, #tpu.memory_space<vmem>>, vector<1x16xi32>,
      %get3A_175 = vector.shape_cast %get3A_174 : vector<1x16xi32> to vector<16xi32>
      %add3A_176 = vector.broadcast %mul3A_7 : i32 to vector<16xi32>
      %add3A_177 = arith.addi %get3A_175, %add3A_176 : vector<16xi32>
      %swap3A_178 = arith.index_cast %add3A_151 : i32 to index
      %swap3A_179 = arith.constant 32 : index
      %swap3A_180 = tpu.vector_load %arg7[%swap3A_178, %swap3A_179] {strides = array<i32>} : memref<80x128xi32, #tpu.memory_space<vmem>>, vector<1x16xi32>,
      %swap3A_181 = vector.shape_cast %swap3A_180 : vector<1x16xi32> to vector<16xi32>
      %swap3A_182 = vector.shape_cast %add3A_177 : vector<16xi32> to vector<1x16xi32>
      tpu.vector_store %arg7[%swap3A_178, %swap3A_179], %swap3A_182 {strides = array<i32>} : memref<80x128xi32, #tpu.memory_space<vmem>>, vector<1x16xi32>,
      %get3A_183 = arith.index_cast %add3A_151 : i32 to index
      %get3A_184 = arith.constant 48 : index
      %get3A_185 = tpu.vector_load %arg7[%get3A_183, %get3A_184] {strides = array<i32>} : memref<80x128xi32, #tpu.memory_space<vmem>>, vector<1x16xi32>,
      %get3A_186 = vector.shape_cast %get3A_185 : vector<1x16xi32> to vector<16xi32>
      %add3A_187 = vector.broadcast %mul3A_7 : i32 to vector<16xi32>
      %add3A_188 = arith.addi %get3A_186, %add3A_187 : vector<16xi32>
      %swap3A_189 = arith.index_cast %add3A_151 : i32 to index
      %swap3A_190 = arith.constant 48 : index
      %swap3A_191 = tpu.vector_load %arg7[%swap3A_189, %swap3A_190] {strides = array<i32>} : memref<80x128xi32, #tpu.memory_space<vmem>>, vector<1x16xi32>,
      %swap3A_192 = vector.shape_cast %swap3A_191 : vector<1x16xi32> to vector<16xi32>
      %swap3A_193 = vector.shape_cast %add3A_188 : vector<16xi32> to vector<1x16xi32>
      tpu.vector_store %arg7[%swap3A_189, %swap3A_190], %swap3A_193 {strides = array<i32>} : memref<80x128xi32, #tpu.memory_space<vmem>>, vector<1x16xi32>,
      %get3A_194 = arith.index_cast %add3A_151 : i32 to index
      %get3A_195 = arith.constant 64 : index
      %get3A_196 = tpu.vector_load %arg7[%get3A_194, %get3A_195] {strides = array<i32>} : memref<80x128xi32, #tpu.memory_space<vmem>>, vector<1x16xi32>,
      %get3A_197 = vector.shape_cast %get3A_196 : vector<1x16xi32> to vector<16xi32>
      %add3A_198 = vector.broadcast %mul3A_7 : i32 to vector<16xi32>
      %add3A_199 = arith.addi %get3A_197, %add3A_198 : vector<16xi32>
      %swap3A_200 = arith.index_cast %add3A_151 : i32 to index
      %swap3A_201 = arith.constant 64 : index
      %swap3A_202 = tpu.vector_load %arg7[%swap3A_200, %swap3A_201] {strides = array<i32>} : memref<80x128xi32, #tpu.memory_space<vmem>>, vector<1x16xi32>,
      %swap3A_203 = vector.shape_cast %swap3A_202 : vector<1x16xi32> to vector<16xi32>
      %swap3A_204 = vector.shape_cast %add3A_199 : vector<16xi32> to vector<1x16xi32>
      tpu.vector_store %arg7[%swap3A_200, %swap3A_201], %swap3A_204 {strides = array<i32>} : memref<80x128xi32, #tpu.memory_space<vmem>>, vector<1x16xi32>,
      %get3A_205 = arith.index_cast %add3A_151 : i32 to index
      %get3A_206 = arith.constant 80 : index
      %get3A_207 = tpu.vector_load %arg7[%get3A_205, %get3A_206] {strides = array<i32>} : memref<80x128xi32, #tpu.memory_space<vmem>>, vector<1x16xi32>,
      %get3A_208 = vector.shape_cast %get3A_207 : vector<1x16xi32> to vector<16xi32>
      %add3A_209 = vector.broadcast %mul3A_7 : i32 to vector<16xi32>
      %add3A_210 = arith.addi %get3A_208, %add3A_209 : vector<16xi32>
      %swap3A_211 = arith.index_cast %add3A_151 : i32 to index
      %swap3A_212 = arith.constant 80 : index
      %swap3A_213 = tpu.vector_load %arg7[%swap3A_211, %swap3A_212] {strides = array<i32>} : memref<80x128xi32, #tpu.memory_space<vmem>>, vector<1x16xi32>,
      %swap3A_214 = vector.shape_cast %swap3A_213 : vector<1x16xi32> to vector<16xi32>
      %swap3A_215 = vector.shape_cast %add3A_210 : vector<16xi32> to vector<1x16xi32>
      tpu.vector_store %arg7[%swap3A_211, %swap3A_212], %swap3A_215 {strides = array<i32>} : memref<80x128xi32, #tpu.memory_space<vmem>>, vector<1x16xi32>,
      %get3A_216 = arith.index_cast %add3A_151 : i32 to index
      %get3A_217 = arith.constant 96 : index
      %get3A_218 = tpu.vector_load %arg7[%get3A_216, %get3A_217] {strides = array<i32>} : memref<80x128xi32, #tpu.memory_space<vmem>>, vector<1x16xi32>,
      %get3A_219 = vector.shape_cast %get3A_218 : vector<1x16xi32> to vector<16xi32>
      %add3A_220 = vector.broadcast %mul3A_7 : i32 to vector<16xi32>
      %add3A_221 = arith.addi %get3A_219, %add3A_220 : vector<16xi32>
      %swap3A_222 = arith.index_cast %add3A_151 : i32 to index
      %swap3A_223 = arith.constant 96 : index
      %swap3A_224 = tpu.vector_load %arg7[%swap3A_222, %swap3A_223] {strides = array<i32>} : memref<80x128xi32, #tpu.memory_space<vmem>>, vector<1x16xi32>,
      %swap3A_225 = vector.shape_cast %swap3A_224 : vector<1x16xi32> to vector<16xi32>
      %swap3A_226 = vector.shape_cast %add3A_221 : vector<16xi32> to vector<1x16xi32>
      tpu.vector_store %arg7[%swap3A_222, %swap3A_223], %swap3A_226 {strides = array<i32>} : memref<80x128xi32, #tpu.memory_space<vmem>>, vector<1x16xi32>,
      %get3A_227 = arith.index_cast %add3A_151 : i32 to index
      %get3A_228 = arith.constant 112 : index
      %get3A_229 = tpu.vector_load %arg7[%get3A_227, %get3A_228] {strides = array<i32>} : memref<80x128xi32, #tpu.memory_space<vmem>>, vector<1x16xi32>,
      %get3A_230 = vector.shape_cast %get3A_229 : vector<1x16xi32> to vector<16xi32>
      %add3A_231 = vector.broadcast %mul3A_7 : i32 to vector<16xi32>
      %add3A_232 = arith.addi %get3A_230, %add3A_231 : vector<16xi32>
      %swap3A_233 = arith.index_cast %add3A_151 : i32 to index
      %swap3A_234 = arith.constant 112 : index
      %swap3A_235 = tpu.vector_load %arg7[%swap3A_233, %swap3A_234] {strides = array<i32>} : memref<80x128xi32, #tpu.memory_space<vmem>>, vector<1x16xi32>,
      %swap3A_236 = vector.shape_cast %swap3A_235 : vector<1x16xi32> to vector<16xi32>
      %swap3A_237 = vector.shape_cast %add3A_232 : vector<16xi32> to vector<1x16xi32>
      tpu.vector_store %arg7[%swap3A_233, %swap3A_234], %swap3A_237 {strides = array<i32>} : memref<80x128xi32, #tpu.memory_space<vmem>>, vector<1x16xi32>,
    }
    %scan3A_12 = arith.constant 80 : i32
    %dma_start3A = arith.constant 0 : i32
    %dma_start3A_13 = arith.constant 0 : i32
    %dma_start3A_14 = tpu.memref_slice %arg7[%dma_start3A, %dma_start3A_13] : memref<80x128xi32, #tpu.memory_space<vmem>> -> memref<1x128xi32, #tpu.memory_space<vmem>>
    %dma_start3A_15 = tpu.memref_squeeze %dma_start3A_14 : memref<1x128xi32, #tpu.memory_space<vmem>> -> memref<128xi32, #tpu.memory_space<vmem>>
    %dma_start3A_16 = arith.constant 0 : i32
    %dma_start3A_17 = arith.constant 0 : i32
    %dma_start3A_18 = tpu.memref_slice %arg2[%dma_start3A_16, %dma_start3A_17] : memref<40000x64xf32, #tpu.memory_space<hbm>> -> memref<40000x64xf32, #tpu.memory_space<hbm>>
    tpu.enqueue_indirect_dma source(%dma_start3A_18 : memref<40000x64xf32, #tpu.memory_space<hbm>>) target(%arg9 : memref<128x64xf32, #tpu.memory_space<vmem>>) offsets(%dma_start3A_15 : memref<128xi32, #tpu.memory_space<vmem>>) semaphore(%arg18 : memref<!tpu.dma_semaphore, #tpu.memory_space<semaphore_mem>>)
    %dma_start3A_19 = arith.constant 1 : i32
    %dma_start3A_20 = arith.constant 0 : i32
    %dma_start3A_21 = tpu.memref_slice %arg7[%dma_start3A_19, %dma_start3A_20] : memref<80x128xi32, #tpu.memory_space<vmem>> -> memref<1x128xi32, #tpu.memory_space<vmem>>
    %dma_start3A_22 = tpu.memref_squeeze %dma_start3A_21 : memref<1x128xi32, #tpu.memory_space<vmem>> -> memref<128xi32, #tpu.memory_space<vmem>>
    %dma_start3A_23 = arith.constant 0 : i32
    %dma_start3A_24 = arith.constant 0 : i32
    %dma_start3A_25 = tpu.memref_slice %arg2[%dma_start3A_23, %dma_start3A_24] : memref<40000x64xf32, #tpu.memory_space<hbm>> -> memref<40000x64xf32, #tpu.memory_space<hbm>>
    tpu.enqueue_indirect_dma source(%dma_start3A_25 : memref<40000x64xf32, #tpu.memory_space<hbm>>) target(%arg10 : memref<128x64xf32, #tpu.memory_space<vmem>>) offsets(%dma_start3A_22 : memref<128xi32, #tpu.memory_space<vmem>>) semaphore(%arg19 : memref<!tpu.dma_semaphore, #tpu.memory_space<semaphore_mem>>)
    %dma_start3A_26 = arith.constant 2 : i32
    %dma_start3A_27 = arith.constant 0 : i32
    %dma_start3A_28 = tpu.memref_slice %arg7[%dma_start3A_26, %dma_start3A_27] : memref<80x128xi32, #tpu.memory_space<vmem>> -> memref<1x128xi32, #tpu.memory_space<vmem>>
    %dma_start3A_29 = tpu.memref_squeeze %dma_start3A_28 : memref<1x128xi32, #tpu.memory_space<vmem>> -> memref<128xi32, #tpu.memory_space<vmem>>
    %dma_start3A_30 = arith.constant 0 : i32
    %dma_start3A_31 = arith.constant 0 : i32
    %dma_start3A_32 = tpu.memref_slice %arg2[%dma_start3A_30, %dma_start3A_31] : memref<40000x64xf32, #tpu.memory_space<hbm>> -> memref<40000x64xf32, #tpu.memory_space<hbm>>
    tpu.enqueue_indirect_dma source(%dma_start3A_32 : memref<40000x64xf32, #tpu.memory_space<hbm>>) target(%arg11 : memref<128x64xf32, #tpu.memory_space<vmem>>) offsets(%dma_start3A_29 : memref<128xi32, #tpu.memory_space<vmem>>) semaphore(%arg20 : memref<!tpu.dma_semaphore, #tpu.memory_space<semaphore_mem>>)
    %dma_start3A_33 = arith.constant 3 : i32
    %dma_start3A_34 = arith.constant 0 : i32
    %dma_start3A_35 = tpu.memref_slice %arg7[%dma_start3A_33, %dma_start3A_34] : memref<80x128xi32, #tpu.memory_space<vmem>> -> memref<1x128xi32, #tpu.memory_space<vmem>>
    %dma_start3A_36 = tpu.memref_squeeze %dma_start3A_35 : memref<1x128xi32, #tpu.memory_space<vmem>> -> memref<128xi32, #tpu.memory_space<vmem>>
    %dma_start3A_37 = arith.constant 0 : i32
    %dma_start3A_38 = arith.constant 0 : i32
    %dma_start3A_39 = tpu.memref_slice %arg2[%dma_start3A_37, %dma_start3A_38] : memref<40000x64xf32, #tpu.memory_space<hbm>> -> memref<40000x64xf32, #tpu.memory_space<hbm>>
    tpu.enqueue_indirect_dma source(%dma_start3A_39 : memref<40000x64xf32, #tpu.memory_space<hbm>>) target(%arg12 : memref<128x64xf32, #tpu.memory_space<vmem>>) offsets(%dma_start3A_36 : memref<128xi32, #tpu.memory_space<vmem>>) semaphore(%arg21 : memref<!tpu.dma_semaphore, #tpu.memory_space<semaphore_mem>>)
    %scan3A_40 = arith.constant 0 : i32
    %scan3A_41 = arith.constant 5 : i32
    %scan3A_42 = arith.addi %scan3A_40, %scan3A_41 : i32
    %scan3A_43 = arith.constant 1 : i32
    scf.for %scan3A_147 = %scan3A_40 to %scan3A_42 step %scan3A_43  : i32 {
      %mul3A_148 = arith.constant 1 : i32
      %mul3A_149 = arith.muli %scan3A_147, %mul3A_148 : i32
      %add3A_150 = arith.constant 0 : i32
      %add3A_151 = arith.addi %add3A_150, %mul3A_149 : i32
      %mul3A_152 = arith.constant 16 : i32
      %mul3A_153 = arith.muli %add3A_151, %mul3A_152 : i32
      %add3A_154 = arith.addi %mul3A_153, %arg1 : i32
      %lt3A = arith.constant 79 : i32
      %lt3A_155 = arith.cmpi slt, %add3A_154, %lt3A : i32
      %convert_element_type3A = arith.extui %lt3A_155 : i1 to i32
      %cond3A = arith.constant 0 : i32
      %cond3A_156 = arith.cmpi ne, %convert_element_type3A, %cond3A : i32
      scf.if %cond3A_156 {
        %mul3A_157 = arith.constant 128 : i32
        %mul3A_158 = arith.muli %add3A_154, %mul3A_157 : i32
        "tpu.region"() ({
          %run_scoped3A = tpu.sem_alloc : memref<!tpu.dma_semaphore, #tpu.memory_space<semaphore_mem>>
          %dma_start3A_161 = arith.constant 0 : i32
          %dma_start3A_162 = tpu.memref_slice %arg16[%mul3A_158, %dma_start3A_161] : memref<10112x64xf32, #tpu.memory_space<vmem_shared>> -> memref<128x64xf32, #tpu.memory_space<vmem_shared>>
          tpu.enqueue_dma source(%arg5 : memref<128x64xf32, #tpu.memory_space<hbm>>) target(%dma_start3A_162 : memref<128x64xf32, #tpu.memory_space<vmem_shared>>) target_semaphore(%run_scoped3A : memref<!tpu.dma_semaphore, #tpu.memory_space<semaphore_mem>>)
          %dma_wait3A_163 = arith.constant 0 : i32
          %dma_wait3A_164 = tpu.memref_slice %arg16[%mul3A_158, %dma_wait3A_163] : memref<10112x64xf32, #tpu.memory_space<vmem_shared>> -> memref<128x64xf32, #tpu.memory_space<vmem_shared>>
          tpu.wait_dma2 semaphore(%run_scoped3A : memref<!tpu.dma_semaphore, #tpu.memory_space<semaphore_mem>>) src(%arg5 : memref<128x64xf32, #tpu.memory_space<hbm>>) dst(%dma_wait3A_164 : memref<128x64xf32, #tpu.memory_space<vmem_shared>>)
          tpu.yield
        }) : () -> ()
        %mul3A_159 = arith.constant 128 : i32
        %mul3A_160 = arith.muli %add3A_154, %mul3A_159 : i32
        "tpu.region"() ({
          %run_scoped3A = tpu.sem_alloc : memref<!tpu.dma_semaphore, #tpu.memory_space<semaphore_mem>>
          %dma_start3A_161 = arith.constant 0 : i32
          %dma_start3A_162 = tpu.memref_slice %arg17[%mul3A_160, %dma_start3A_161] : memref<10112x16xf32, #tpu.memory_space<vmem_shared>> -> memref<128x16xf32, #tpu.memory_space<vmem_shared>>
          %dma_start3A_163 = arith.constant 0 : i32
          %dma_start3A_164 = tpu.memref_slice %arg17[%mul3A_160, %dma_start3A_163] : memref<10112x16xf32, #tpu.memory_space<vmem_shared>> -> memref<128x16xf32, #tpu.memory_space<vmem_shared>>
          tpu.enqueue_dma source(%arg15 : memref<128x16xf32, #tpu.memory_space<vmem>>) target(%dma_start3A_164 : memref<128x16xf32, #tpu.memory_space<vmem_shared>>) target_semaphore(%run_scoped3A : memref<!tpu.dma_semaphore, #tpu.memory_space<semaphore_mem>>)
          %dma_wait3A_165 = arith.constant 0 : i32
          %dma_wait3A_166 = tpu.memref_slice %arg17[%mul3A_160, %dma_wait3A_165] : memref<10112x16xf32, #tpu.memory_space<vmem_shared>> -> memref<128x16xf32, #tpu.memory_space<vmem_shared>>
          %dma_wait3A_167 = arith.constant 0 : i32
          %dma_wait3A_168 = tpu.memref_slice %arg17[%mul3A_160, %dma_wait3A_167] : memref<10112x16xf32, #tpu.memory_space<vmem_shared>> -> memref<128x16xf32, #tpu.memory_space<vmem_shared>>
          tpu.wait_dma2 semaphore(%run_scoped3A : memref<!tpu.dma_semaphore, #tpu.memory_space<semaphore_mem>>) src(%arg15 : memref<128x16xf32, #tpu.memory_space<vmem>>) dst(%dma_wait3A_168 : memref<128x16xf32, #tpu.memory_space<vmem_shared>>)
          tpu.yield
        }) : () -> ()
      } else {
      }
    }
    %scan3A_44 = arith.constant 5 : i32
    %barrier3A = arith.constant 0 : index
    tpu.barrier barrier_id(%barrier3A)
    %scan3A_45 = arith.constant 0 : i32
    %scan3A_46 = arith.constant 20 : i32
    %scan3A_47 = arith.addi %scan3A_45, %scan3A_46 : i32
    %scan3A_48 = arith.constant 1 : i32
    scf.for %scan3A_147 = %scan3A_45 to %scan3A_47 step %scan3A_48  : i32 {
      %mul3A_148 = arith.constant 1 : i32
      %mul3A_149 = arith.muli %scan3A_147, %mul3A_148 : i32
      %add3A_150 = arith.constant 0 : i32
      %add3A_151 = arith.addi %add3A_150, %mul3A_149 : i32
      %mul3A_152 = arith.constant 4 : i32
      %mul3A_153 = arith.muli %add3A_151, %mul3A_152 : i32
      %add3A_154 = arith.constant 0 : i32
      %add3A_155 = arith.addi %mul3A_153, %add3A_154 : i32
      %dma_wait3A_156 = arith.constant 0 : i32
      %dma_wait3A_157 = tpu.memref_slice %arg7[%add3A_155, %dma_wait3A_156] : memref<80x128xi32, #tpu.memory_space<vmem>> -> memref<1x128xi32, #tpu.memory_space<vmem>>
      %dma_wait3A_158 = tpu.memref_squeeze %dma_wait3A_157 : memref<1x128xi32, #tpu.memory_space<vmem>> -> memref<128xi32, #tpu.memory_space<vmem>>
      %dma_wait3A_159 = arith.constant 0 : i32
      %dma_wait3A_160 = arith.constant 0 : i32
      %dma_wait3A_161 = tpu.memref_slice %arg2[%dma_wait3A_159, %dma_wait3A_160] : memref<40000x64xf32, #tpu.memory_space<hbm>> -> memref<40000x64xf32, #tpu.memory_space<hbm>>
      tpu.wait_indirect_dma semaphore(%arg18 : memref<!tpu.dma_semaphore, #tpu.memory_space<semaphore_mem>>) src(%dma_wait3A_161 : memref<40000x64xf32, #tpu.memory_space<hbm>>) dst(%arg9 : memref<128x64xf32, #tpu.memory_space<vmem>>)
      %dma_start3A_162 = arith.constant 0 : i32
      %dma_start3A_163 = tpu.memref_slice %arg8[%add3A_155, %dma_start3A_162] : memref<80x128xi32, #tpu.memory_space<vmem>> -> memref<1x128xi32, #tpu.memory_space<vmem>>
      %dma_start3A_164 = tpu.memref_squeeze %dma_start3A_163 : memref<1x128xi32, #tpu.memory_space<vmem>> -> memref<128xi32, #tpu.memory_space<vmem>>
      %dma_start3A_165 = arith.constant 0 : i32
      %dma_start3A_166 = arith.constant 0 : i32
      %dma_start3A_167 = tpu.memref_slice %arg16[%dma_start3A_165, %dma_start3A_166] : memref<10112x64xf32, #tpu.memory_space<vmem_shared>> -> memref<10112x64xf32, #tpu.memory_space<vmem_shared>>
      tpu.enqueue_indirect_dma source(%arg9 : memref<128x64xf32, #tpu.memory_space<vmem>>) target(%dma_start3A_167 : memref<10112x64xf32, #tpu.memory_space<vmem_shared>>) offsets(%dma_start3A_164 : memref<128xi32, #tpu.memory_space<vmem>>) semaphore(%arg22 : memref<!tpu.dma_semaphore, #tpu.memory_space<semaphore_mem>>) {add = true}
      %gt3A = arith.constant 0 : i32
      %gt3A_168 = arith.cmpi sgt, %add3A_151, %gt3A : i32
      %convert_element_type3A = arith.extui %gt3A_168 : i1 to i32
      %cond3A = arith.constant 0 : i32
      %cond3A_169 = arith.cmpi ne, %convert_element_type3A, %cond3A : i32
      scf.if %cond3A_169 {
        %dma_wait3A_314 = arith.constant 0 : i32
        %dma_wait3A_315 = tpu.memref_slice %arg8[%add3A_155, %dma_wait3A_314] : memref<80x128xi32, #tpu.memory_space<vmem>> -> memref<1x128xi32, #tpu.memory_space<vmem>>
        %dma_wait3A_316 = tpu.memref_squeeze %dma_wait3A_315 : memref<1x128xi32, #tpu.memory_space<vmem>> -> memref<128xi32, #tpu.memory_space<vmem>>
        %dma_wait3A_317 = arith.constant 0 : i32
        %dma_wait3A_318 = arith.constant 0 : i32
        %dma_wait3A_319 = tpu.memref_slice %arg17[%dma_wait3A_317, %dma_wait3A_318] : memref<10112x16xf32, #tpu.memory_space<vmem_shared>> -> memref<10112x16xf32, #tpu.memory_space<vmem_shared>>
        tpu.wait_indirect_dma semaphore(%arg26 : memref<!tpu.dma_semaphore, #tpu.memory_space<semaphore_mem>>) src(%arg14 : memref<128x16xf32, #tpu.memory_space<vmem>>) dst(%dma_wait3A_319 : memref<10112x16xf32, #tpu.memory_space<vmem_shared>>)
      } else {
      }
      %dma_start3A_170 = arith.constant 0 : i32
      %dma_start3A_171 = tpu.memref_slice %arg8[%add3A_155, %dma_start3A_170] : memref<80x128xi32, #tpu.memory_space<vmem>> -> memref<1x128xi32, #tpu.memory_space<vmem>>
      %dma_start3A_172 = tpu.memref_squeeze %dma_start3A_171 : memref<1x128xi32, #tpu.memory_space<vmem>> -> memref<128xi32, #tpu.memory_space<vmem>>
      %dma_start3A_173 = arith.constant 0 : i32
      %dma_start3A_174 = arith.constant 0 : i32
      %dma_start3A_175 = tpu.memref_slice %arg17[%dma_start3A_173, %dma_start3A_174] : memref<10112x16xf32, #tpu.memory_space<vmem_shared>> -> memref<10112x16xf32, #tpu.memory_space<vmem_shared>>
      tpu.enqueue_indirect_dma source(%arg14 : memref<128x16xf32, #tpu.memory_space<vmem>>) target(%dma_start3A_175 : memref<10112x16xf32, #tpu.memory_space<vmem_shared>>) offsets(%dma_start3A_172 : memref<128xi32, #tpu.memory_space<vmem>>) semaphore(%arg26 : memref<!tpu.dma_semaphore, #tpu.memory_space<semaphore_mem>>) {add = true}
      %sub3A = arith.constant 1 : i32
      %sub3A_176 = arith.subi %add3A_155, %sub3A : i32
      %max3A = arith.constant 0 : i32
      %max3A_177 = arith.maxsi %sub3A_176, %max3A : i32
      %sub3A_178 = arith.constant 1 : i32
      %sub3A_179 = arith.subi %add3A_155, %sub3A_178 : i32
      %add3A_180 = arith.constant 4 : i32
      %add3A_181 = arith.addi %sub3A_179, %add3A_180 : i32
      %min3A = arith.constant 79 : i32
      %min3A_182 = arith.minsi %add3A_181, %min3A : i32
      %gt3A_183 = arith.constant 0 : i32
      %gt3A_184 = arith.cmpi sgt, %add3A_155, %gt3A_183 : i32
      %convert_element_type3A_185 = arith.extui %gt3A_184 : i1 to i32
      %cond3A_186 = arith.constant 0 : i32
      %cond3A_187 = arith.cmpi ne, %convert_element_type3A_185, %cond3A_186 : i32
      scf.if %cond3A_187 {
        %dma_wait3A_314 = arith.constant 0 : i32
        %dma_wait3A_315 = tpu.memref_slice %arg8[%max3A_177, %dma_wait3A_314] : memref<80x128xi32, #tpu.memory_space<vmem>> -> memref<1x128xi32, #tpu.memory_space<vmem>>
        %dma_wait3A_316 = tpu.memref_squeeze %dma_wait3A_315 : memref<1x128xi32, #tpu.memory_space<vmem>> -> memref<128xi32, #tpu.memory_space<vmem>>
        %dma_wait3A_317 = arith.constant 0 : i32
        %dma_wait3A_318 = arith.constant 0 : i32
        %dma_wait3A_319 = tpu.memref_slice %arg16[%dma_wait3A_317, %dma_wait3A_318] : memref<10112x64xf32, #tpu.memory_space<vmem_shared>> -> memref<10112x64xf32, #tpu.memory_space<vmem_shared>>
        tpu.wait_indirect_dma semaphore(%arg25 : memref<!tpu.dma_semaphore, #tpu.memory_space<semaphore_mem>>) src(%arg12 : memref<128x64xf32, #tpu.memory_space<vmem>>) dst(%dma_wait3A_319 : memref<10112x64xf32, #tpu.memory_space<vmem_shared>>)
        %sub3A_320 = arith.constant 1 : i32
        %sub3A_321 = arith.subi %add3A_155, %sub3A_320 : i32
        %add3A_322 = arith.constant 4 : i32
        %add3A_323 = arith.addi %sub3A_321, %add3A_322 : i32
        %lt3A = arith.constant 80 : i32
        %lt3A_324 = arith.cmpi slt, %add3A_323, %lt3A : i32
        %convert_element_type3A_325 = arith.extui %lt3A_324 : i1 to i32
        %cond3A_326 = arith.constant 0 : i32
        %cond3A_327 = arith.cmpi ne, %convert_element_type3A_325, %cond3A_326 : i32
        scf.if %cond3A_327 {
          %dma_start3A_328 = arith.constant 0 : i32
          %dma_start3A_329 = tpu.memref_slice %arg7[%min3A_182, %dma_start3A_328] : memref<80x128xi32, #tpu.memory_space<vmem>> -> memref<1x128xi32, #tpu.memory_space<vmem>>
          %dma_start3A_330 = tpu.memref_squeeze %dma_start3A_329 : memref<1x128xi32, #tpu.memory_space<vmem>> -> memref<128xi32, #tpu.memory_space<vmem>>
          %dma_start3A_331 = arith.constant 0 : i32
          %dma_start3A_332 = arith.constant 0 : i32
          %dma_start3A_333 = tpu.memref_slice %arg2[%dma_start3A_331, %dma_start3A_332] : memref<40000x64xf32, #tpu.memory_space<hbm>> -> memref<40000x64xf32, #tpu.memory_space<hbm>>
          tpu.enqueue_indirect_dma source(%dma_start3A_333 : memref<40000x64xf32, #tpu.memory_space<hbm>>) target(%arg12 : memref<128x64xf32, #tpu.memory_space<vmem>>) offsets(%dma_start3A_330 : memref<128xi32, #tpu.memory_space<vmem>>) semaphore(%arg21 : memref<!tpu.dma_semaphore, #tpu.memory_space<semaphore_mem>>)
        } else {
        }
      } else {
      }
      %mul3A_188 = arith.constant 4 : i32
      %mul3A_189 = arith.muli %add3A_151, %mul3A_188 : i32
      %add3A_190 = arith.constant 1 : i32
      %add3A_191 = arith.addi %mul3A_189, %add3A_190 : i32
      %dma_wait3A_192 = arith.constant 0 : i32
      %dma_wait3A_193 = tpu.memref_slice %arg7[%add3A_191, %dma_wait3A_192] : memref<80x128xi32, #tpu.memory_space<vmem>> -> memref<1x128xi32, #tpu.memory_space<vmem>>
      %dma_wait3A_194 = tpu.memref_squeeze %dma_wait3A_193 : memref<1x128xi32, #tpu.memory_space<vmem>> -> memref<128xi32, #tpu.memory_space<vmem>>
      %dma_wait3A_195 = arith.constant 0 : i32
      %dma_wait3A_196 = arith.constant 0 : i32
      %dma_wait3A_197 = tpu.memref_slice %arg2[%dma_wait3A_195, %dma_wait3A_196] : memref<40000x64xf32, #tpu.memory_space<hbm>> -> memref<40000x64xf32, #tpu.memory_space<hbm>>
      tpu.wait_indirect_dma semaphore(%arg19 : memref<!tpu.dma_semaphore, #tpu.memory_space<semaphore_mem>>) src(%dma_wait3A_197 : memref<40000x64xf32, #tpu.memory_space<hbm>>) dst(%arg10 : memref<128x64xf32, #tpu.memory_space<vmem>>)
      %dma_start3A_198 = arith.constant 0 : i32
      %dma_start3A_199 = tpu.memref_slice %arg8[%add3A_191, %dma_start3A_198] : memref<80x128xi32, #tpu.memory_space<vmem>> -> memref<1x128xi32, #tpu.memory_space<vmem>>
      %dma_start3A_200 = tpu.memref_squeeze %dma_start3A_199 : memref<1x128xi32, #tpu.memory_space<vmem>> -> memref<128xi32, #tpu.memory_space<vmem>>
      %dma_start3A_201 = arith.constant 0 : i32
      %dma_start3A_202 = arith.constant 0 : i32
      %dma_start3A_203 = tpu.memref_slice %arg16[%dma_start3A_201, %dma_start3A_202] : memref<10112x64xf32, #tpu.memory_space<vmem_shared>> -> memref<10112x64xf32, #tpu.memory_space<vmem_shared>>
      tpu.enqueue_indirect_dma source(%arg10 : memref<128x64xf32, #tpu.memory_space<vmem>>) target(%dma_start3A_203 : memref<10112x64xf32, #tpu.memory_space<vmem_shared>>) offsets(%dma_start3A_200 : memref<128xi32, #tpu.memory_space<vmem>>) semaphore(%arg23 : memref<!tpu.dma_semaphore, #tpu.memory_space<semaphore_mem>>) {add = true}
      %gt3A_204 = arith.constant 0 : i32
      %gt3A_205 = arith.cmpi sgt, %add3A_151, %gt3A_204 : i32
      %convert_element_type3A_206 = arith.extui %gt3A_205 : i1 to i32
      %cond3A_207 = arith.constant 0 : i32
      %cond3A_208 = arith.cmpi ne, %convert_element_type3A_206, %cond3A_207 : i32
      scf.if %cond3A_208 {
        %dma_wait3A_314 = arith.constant 0 : i32
        %dma_wait3A_315 = tpu.memref_slice %arg8[%add3A_191, %dma_wait3A_314] : memref<80x128xi32, #tpu.memory_space<vmem>> -> memref<1x128xi32, #tpu.memory_space<vmem>>
        %dma_wait3A_316 = tpu.memref_squeeze %dma_wait3A_315 : memref<1x128xi32, #tpu.memory_space<vmem>> -> memref<128xi32, #tpu.memory_space<vmem>>
        %dma_wait3A_317 = arith.constant 0 : i32
        %dma_wait3A_318 = arith.constant 0 : i32
        %dma_wait3A_319 = tpu.memref_slice %arg17[%dma_wait3A_317, %dma_wait3A_318] : memref<10112x16xf32, #tpu.memory_space<vmem_shared>> -> memref<10112x16xf32, #tpu.memory_space<vmem_shared>>
        tpu.wait_indirect_dma semaphore(%arg27 : memref<!tpu.dma_semaphore, #tpu.memory_space<semaphore_mem>>) src(%arg14 : memref<128x16xf32, #tpu.memory_space<vmem>>) dst(%dma_wait3A_319 : memref<10112x16xf32, #tpu.memory_space<vmem_shared>>)
      } else {
      }
      %dma_start3A_209 = arith.constant 0 : i32
      %dma_start3A_210 = tpu.memref_slice %arg8[%add3A_191, %dma_start3A_209] : memref<80x128xi32, #tpu.memory_space<vmem>> -> memref<1x128xi32, #tpu.memory_space<vmem>>
      %dma_start3A_211 = tpu.memref_squeeze %dma_start3A_210 : memref<1x128xi32, #tpu.memory_space<vmem>> -> memref<128xi32, #tpu.memory_space<vmem>>
      %dma_start3A_212 = arith.constant 0 : i32
      %dma_start3A_213 = arith.constant 0 : i32
      %dma_start3A_214 = tpu.memref_slice %arg17[%dma_start3A_212, %dma_start3A_213] : memref<10112x16xf32, #tpu.memory_space<vmem_shared>> -> memref<10112x16xf32, #tpu.memory_space<vmem_shared>>
      tpu.enqueue_indirect_dma source(%arg14 : memref<128x16xf32, #tpu.memory_space<vmem>>) target(%dma_start3A_214 : memref<10112x16xf32, #tpu.memory_space<vmem_shared>>) offsets(%dma_start3A_211 : memref<128xi32, #tpu.memory_space<vmem>>) semaphore(%arg27 : memref<!tpu.dma_semaphore, #tpu.memory_space<semaphore_mem>>) {add = true}
      %sub3A_215 = arith.constant 1 : i32
      %sub3A_216 = arith.subi %add3A_191, %sub3A_215 : i32
      %max3A_217 = arith.constant 0 : i32
      %max3A_218 = arith.maxsi %sub3A_216, %max3A_217 : i32
      %sub3A_219 = arith.constant 1 : i32
      %sub3A_220 = arith.subi %add3A_191, %sub3A_219 : i32
      %add3A_221 = arith.constant 4 : i32
      %add3A_222 = arith.addi %sub3A_220, %add3A_221 : i32
      %min3A_223 = arith.constant 79 : i32
      %min3A_224 = arith.minsi %add3A_222, %min3A_223 : i32
      %gt3A_225 = arith.constant 0 : i32
      %gt3A_226 = arith.cmpi sgt, %add3A_191, %gt3A_225 : i32
      %convert_element_type3A_227 = arith.extui %gt3A_226 : i1 to i32
      %cond3A_228 = arith.constant 0 : i32
      %cond3A_229 = arith.cmpi ne, %convert_element_type3A_227, %cond3A_228 : i32
      scf.if %cond3A_229 {
        %dma_wait3A_314 = arith.constant 0 : i32
        %dma_wait3A_315 = tpu.memref_slice %arg8[%max3A_218, %dma_wait3A_314] : memref<80x128xi32, #tpu.memory_space<vmem>> -> memref<1x128xi32, #tpu.memory_space<vmem>>
        %dma_wait3A_316 = tpu.memref_squeeze %dma_wait3A_315 : memref<1x128xi32, #tpu.memory_space<vmem>> -> memref<128xi32, #tpu.memory_space<vmem>>
        %dma_wait3A_317 = arith.constant 0 : i32
        %dma_wait3A_318 = arith.constant 0 : i32
        %dma_wait3A_319 = tpu.memref_slice %arg16[%dma_wait3A_317, %dma_wait3A_318] : memref<10112x64xf32, #tpu.memory_space<vmem_shared>> -> memref<10112x64xf32, #tpu.memory_space<vmem_shared>>
        tpu.wait_indirect_dma semaphore(%arg22 : memref<!tpu.dma_semaphore, #tpu.memory_space<semaphore_mem>>) src(%arg9 : memref<128x64xf32, #tpu.memory_space<vmem>>) dst(%dma_wait3A_319 : memref<10112x64xf32, #tpu.memory_space<vmem_shared>>)
        %sub3A_320 = arith.constant 1 : i32
        %sub3A_321 = arith.subi %add3A_191, %sub3A_320 : i32
        %add3A_322 = arith.constant 4 : i32
        %add3A_323 = arith.addi %sub3A_321, %add3A_322 : i32
        %lt3A = arith.constant 80 : i32
        %lt3A_324 = arith.cmpi slt, %add3A_323, %lt3A : i32
        %convert_element_type3A_325 = arith.extui %lt3A_324 : i1 to i32
        %cond3A_326 = arith.constant 0 : i32
        %cond3A_327 = arith.cmpi ne, %convert_element_type3A_325, %cond3A_326 : i32
        scf.if %cond3A_327 {
          %dma_start3A_328 = arith.constant 0 : i32
          %dma_start3A_329 = tpu.memref_slice %arg7[%min3A_224, %dma_start3A_328] : memref<80x128xi32, #tpu.memory_space<vmem>> -> memref<1x128xi32, #tpu.memory_space<vmem>>
          %dma_start3A_330 = tpu.memref_squeeze %dma_start3A_329 : memref<1x128xi32, #tpu.memory_space<vmem>> -> memref<128xi32, #tpu.memory_space<vmem>>
          %dma_start3A_331 = arith.constant 0 : i32
          %dma_start3A_332 = arith.constant 0 : i32
          %dma_start3A_333 = tpu.memref_slice %arg2[%dma_start3A_331, %dma_start3A_332] : memref<40000x64xf32, #tpu.memory_space<hbm>> -> memref<40000x64xf32, #tpu.memory_space<hbm>>
          tpu.enqueue_indirect_dma source(%dma_start3A_333 : memref<40000x64xf32, #tpu.memory_space<hbm>>) target(%arg9 : memref<128x64xf32, #tpu.memory_space<vmem>>) offsets(%dma_start3A_330 : memref<128xi32, #tpu.memory_space<vmem>>) semaphore(%arg18 : memref<!tpu.dma_semaphore, #tpu.memory_space<semaphore_mem>>)
        } else {
        }
      } else {
      }
      %mul3A_230 = arith.constant 4 : i32
      %mul3A_231 = arith.muli %add3A_151, %mul3A_230 : i32
      %add3A_232 = arith.constant 2 : i32
      %add3A_233 = arith.addi %mul3A_231, %add3A_232 : i32
      %dma_wait3A_234 = arith.constant 0 : i32
      %dma_wait3A_235 = tpu.memref_slice %arg7[%add3A_233, %dma_wait3A_234] : memref<80x128xi32, #tpu.memory_space<vmem>> -> memref<1x128xi32, #tpu.memory_space<vmem>>
      %dma_wait3A_236 = tpu.memref_squeeze %dma_wait3A_235 : memref<1x128xi32, #tpu.memory_space<vmem>> -> memref<128xi32, #tpu.memory_space<vmem>>
      %dma_wait3A_237 = arith.constant 0 : i32
      %dma_wait3A_238 = arith.constant 0 : i32
      %dma_wait3A_239 = tpu.memref_slice %arg2[%dma_wait3A_237, %dma_wait3A_238] : memref<40000x64xf32, #tpu.memory_space<hbm>> -> memref<40000x64xf32, #tpu.memory_space<hbm>>
      tpu.wait_indirect_dma semaphore(%arg20 : memref<!tpu.dma_semaphore, #tpu.memory_space<semaphore_mem>>) src(%dma_wait3A_239 : memref<40000x64xf32, #tpu.memory_space<hbm>>) dst(%arg11 : memref<128x64xf32, #tpu.memory_space<vmem>>)
      %dma_start3A_240 = arith.constant 0 : i32
      %dma_start3A_241 = tpu.memref_slice %arg8[%add3A_233, %dma_start3A_240] : memref<80x128xi32, #tpu.memory_space<vmem>> -> memref<1x128xi32, #tpu.memory_space<vmem>>
      %dma_start3A_242 = tpu.memref_squeeze %dma_start3A_241 : memref<1x128xi32, #tpu.memory_space<vmem>> -> memref<128xi32, #tpu.memory_space<vmem>>
      %dma_start3A_243 = arith.constant 0 : i32
      %dma_start3A_244 = arith.constant 0 : i32
      %dma_start3A_245 = tpu.memref_slice %arg16[%dma_start3A_243, %dma_start3A_244] : memref<10112x64xf32, #tpu.memory_space<vmem_shared>> -> memref<10112x64xf32, #tpu.memory_space<vmem_shared>>
      tpu.enqueue_indirect_dma source(%arg11 : memref<128x64xf32, #tpu.memory_space<vmem>>) target(%dma_start3A_245 : memref<10112x64xf32, #tpu.memory_space<vmem_shared>>) offsets(%dma_start3A_242 : memref<128xi32, #tpu.memory_space<vmem>>) semaphore(%arg24 : memref<!tpu.dma_semaphore, #tpu.memory_space<semaphore_mem>>) {add = true}
      %gt3A_246 = arith.constant 0 : i32
      %gt3A_247 = arith.cmpi sgt, %add3A_151, %gt3A_246 : i32
      %convert_element_type3A_248 = arith.extui %gt3A_247 : i1 to i32
      %cond3A_249 = arith.constant 0 : i32
      %cond3A_250 = arith.cmpi ne, %convert_element_type3A_248, %cond3A_249 : i32
      scf.if %cond3A_250 {
        %dma_wait3A_314 = arith.constant 0 : i32
        %dma_wait3A_315 = tpu.memref_slice %arg8[%add3A_233, %dma_wait3A_314] : memref<80x128xi32, #tpu.memory_space<vmem>> -> memref<1x128xi32, #tpu.memory_space<vmem>>
        %dma_wait3A_316 = tpu.memref_squeeze %dma_wait3A_315 : memref<1x128xi32, #tpu.memory_space<vmem>> -> memref<128xi32, #tpu.memory_space<vmem>>
        %dma_wait3A_317 = arith.constant 0 : i32
        %dma_wait3A_318 = arith.constant 0 : i32
        %dma_wait3A_319 = tpu.memref_slice %arg17[%dma_wait3A_317, %dma_wait3A_318] : memref<10112x16xf32, #tpu.memory_space<vmem_shared>> -> memref<10112x16xf32, #tpu.memory_space<vmem_shared>>
        tpu.wait_indirect_dma semaphore(%arg28 : memref<!tpu.dma_semaphore, #tpu.memory_space<semaphore_mem>>) src(%arg14 : memref<128x16xf32, #tpu.memory_space<vmem>>) dst(%dma_wait3A_319 : memref<10112x16xf32, #tpu.memory_space<vmem_shared>>)
      } else {
      }
      %dma_start3A_251 = arith.constant 0 : i32
      %dma_start3A_252 = tpu.memref_slice %arg8[%add3A_233, %dma_start3A_251] : memref<80x128xi32, #tpu.memory_space<vmem>> -> memref<1x128xi32, #tpu.memory_space<vmem>>
      %dma_start3A_253 = tpu.memref_squeeze %dma_start3A_252 : memref<1x128xi32, #tpu.memory_space<vmem>> -> memref<128xi32, #tpu.memory_space<vmem>>
      %dma_start3A_254 = arith.constant 0 : i32
      %dma_start3A_255 = arith.constant 0 : i32
      %dma_start3A_256 = tpu.memref_slice %arg17[%dma_start3A_254, %dma_start3A_255] : memref<10112x16xf32, #tpu.memory_space<vmem_shared>> -> memref<10112x16xf32, #tpu.memory_space<vmem_shared>>
      tpu.enqueue_indirect_dma source(%arg14 : memref<128x16xf32, #tpu.memory_space<vmem>>) target(%dma_start3A_256 : memref<10112x16xf32, #tpu.memory_space<vmem_shared>>) offsets(%dma_start3A_253 : memref<128xi32, #tpu.memory_space<vmem>>) semaphore(%arg28 : memref<!tpu.dma_semaphore, #tpu.memory_space<semaphore_mem>>) {add = true}
      %sub3A_257 = arith.constant 1 : i32
      %sub3A_258 = arith.subi %add3A_233, %sub3A_257 : i32
      %max3A_259 = arith.constant 0 : i32
      %max3A_260 = arith.maxsi %sub3A_258, %max3A_259 : i32
      %sub3A_261 = arith.constant 1 : i32
      %sub3A_262 = arith.subi %add3A_233, %sub3A_261 : i32
      %add3A_263 = arith.constant 4 : i32
      %add3A_264 = arith.addi %sub3A_262, %add3A_263 : i32
      %min3A_265 = arith.constant 79 : i32
      %min3A_266 = arith.minsi %add3A_264, %min3A_265 : i32
      %gt3A_267 = arith.constant 0 : i32
      %gt3A_268 = arith.cmpi sgt, %add3A_233, %gt3A_267 : i32
      %convert_element_type3A_269 = arith.extui %gt3A_268 : i1 to i32
      %cond3A_270 = arith.constant 0 : i32
      %cond3A_271 = arith.cmpi ne, %convert_element_type3A_269, %cond3A_270 : i32
      scf.if %cond3A_271 {
        %dma_wait3A_314 = arith.constant 0 : i32
        %dma_wait3A_315 = tpu.memref_slice %arg8[%max3A_260, %dma_wait3A_314] : memref<80x128xi32, #tpu.memory_space<vmem>> -> memref<1x128xi32, #tpu.memory_space<vmem>>
        %dma_wait3A_316 = tpu.memref_squeeze %dma_wait3A_315 : memref<1x128xi32, #tpu.memory_space<vmem>> -> memref<128xi32, #tpu.memory_space<vmem>>
        %dma_wait3A_317 = arith.constant 0 : i32
        %dma_wait3A_318 = arith.constant 0 : i32
        %dma_wait3A_319 = tpu.memref_slice %arg16[%dma_wait3A_317, %dma_wait3A_318] : memref<10112x64xf32, #tpu.memory_space<vmem_shared>> -> memref<10112x64xf32, #tpu.memory_space<vmem_shared>>
        tpu.wait_indirect_dma semaphore(%arg23 : memref<!tpu.dma_semaphore, #tpu.memory_space<semaphore_mem>>) src(%arg10 : memref<128x64xf32, #tpu.memory_space<vmem>>) dst(%dma_wait3A_319 : memref<10112x64xf32, #tpu.memory_space<vmem_shared>>)
        %sub3A_320 = arith.constant 1 : i32
        %sub3A_321 = arith.subi %add3A_233, %sub3A_320 : i32
        %add3A_322 = arith.constant 4 : i32
        %add3A_323 = arith.addi %sub3A_321, %add3A_322 : i32
        %lt3A = arith.constant 80 : i32
        %lt3A_324 = arith.cmpi slt, %add3A_323, %lt3A : i32
        %convert_element_type3A_325 = arith.extui %lt3A_324 : i1 to i32
        %cond3A_326 = arith.constant 0 : i32
        %cond3A_327 = arith.cmpi ne, %convert_element_type3A_325, %cond3A_326 : i32
        scf.if %cond3A_327 {
          %dma_start3A_328 = arith.constant 0 : i32
          %dma_start3A_329 = tpu.memref_slice %arg7[%min3A_266, %dma_start3A_328] : memref<80x128xi32, #tpu.memory_space<vmem>> -> memref<1x128xi32, #tpu.memory_space<vmem>>
          %dma_start3A_330 = tpu.memref_squeeze %dma_start3A_329 : memref<1x128xi32, #tpu.memory_space<vmem>> -> memref<128xi32, #tpu.memory_space<vmem>>
          %dma_start3A_331 = arith.constant 0 : i32
          %dma_start3A_332 = arith.constant 0 : i32
          %dma_start3A_333 = tpu.memref_slice %arg2[%dma_start3A_331, %dma_start3A_332] : memref<40000x64xf32, #tpu.memory_space<hbm>> -> memref<40000x64xf32, #tpu.memory_space<hbm>>
          tpu.enqueue_indirect_dma source(%dma_start3A_333 : memref<40000x64xf32, #tpu.memory_space<hbm>>) target(%arg10 : memref<128x64xf32, #tpu.memory_space<vmem>>) offsets(%dma_start3A_330 : memref<128xi32, #tpu.memory_space<vmem>>) semaphore(%arg19 : memref<!tpu.dma_semaphore, #tpu.memory_space<semaphore_mem>>)
        } else {
        }
      } else {
      }
      %mul3A_272 = arith.constant 4 : i32
      %mul3A_273 = arith.muli %add3A_151, %mul3A_272 : i32
      %add3A_274 = arith.constant 3 : i32
      %add3A_275 = arith.addi %mul3A_273, %add3A_274 : i32
      %dma_wait3A_276 = arith.constant 0 : i32
      %dma_wait3A_277 = tpu.memref_slice %arg7[%add3A_275, %dma_wait3A_276] : memref<80x128xi32, #tpu.memory_space<vmem>> -> memref<1x128xi32, #tpu.memory_space<vmem>>
      %dma_wait3A_278 = tpu.memref_squeeze %dma_wait3A_277 : memref<1x128xi32, #tpu.memory_space<vmem>> -> memref<128xi32, #tpu.memory_space<vmem>>
      %dma_wait3A_279 = arith.constant 0 : i32
      %dma_wait3A_280 = arith.constant 0 : i32
      %dma_wait3A_281 = tpu.memref_slice %arg2[%dma_wait3A_279, %dma_wait3A_280] : memref<40000x64xf32, #tpu.memory_space<hbm>> -> memref<40000x64xf32, #tpu.memory_space<hbm>>
      tpu.wait_indirect_dma semaphore(%arg21 : memref<!tpu.dma_semaphore, #tpu.memory_space<semaphore_mem>>) src(%dma_wait3A_281 : memref<40000x64xf32, #tpu.memory_space<hbm>>) dst(%arg12 : memref<128x64xf32, #tpu.memory_space<vmem>>)
      %dma_start3A_282 = arith.constant 0 : i32
      %dma_start3A_283 = tpu.memref_slice %arg8[%add3A_275, %dma_start3A_282] : memref<80x128xi32, #tpu.memory_space<vmem>> -> memref<1x128xi32, #tpu.memory_space<vmem>>
      %dma_start3A_284 = tpu.memref_squeeze %dma_start3A_283 : memref<1x128xi32, #tpu.memory_space<vmem>> -> memref<128xi32, #tpu.memory_space<vmem>>
      %dma_start3A_285 = arith.constant 0 : i32
      %dma_start3A_286 = arith.constant 0 : i32
      %dma_start3A_287 = tpu.memref_slice %arg16[%dma_start3A_285, %dma_start3A_286] : memref<10112x64xf32, #tpu.memory_space<vmem_shared>> -> memref<10112x64xf32, #tpu.memory_space<vmem_shared>>
      tpu.enqueue_indirect_dma source(%arg12 : memref<128x64xf32, #tpu.memory_space<vmem>>) target(%dma_start3A_287 : memref<10112x64xf32, #tpu.memory_space<vmem_shared>>) offsets(%dma_start3A_284 : memref<128xi32, #tpu.memory_space<vmem>>) semaphore(%arg25 : memref<!tpu.dma_semaphore, #tpu.memory_space<semaphore_mem>>) {add = true}
      %gt3A_288 = arith.constant 0 : i32
      %gt3A_289 = arith.cmpi sgt, %add3A_151, %gt3A_288 : i32
      %convert_element_type3A_290 = arith.extui %gt3A_289 : i1 to i32
      %cond3A_291 = arith.constant 0 : i32
      %cond3A_292 = arith.cmpi ne, %convert_element_type3A_290, %cond3A_291 : i32
      scf.if %cond3A_292 {
        %dma_wait3A_314 = arith.constant 0 : i32
        %dma_wait3A_315 = tpu.memref_slice %arg8[%add3A_275, %dma_wait3A_314] : memref<80x128xi32, #tpu.memory_space<vmem>> -> memref<1x128xi32, #tpu.memory_space<vmem>>
        %dma_wait3A_316 = tpu.memref_squeeze %dma_wait3A_315 : memref<1x128xi32, #tpu.memory_space<vmem>> -> memref<128xi32, #tpu.memory_space<vmem>>
        %dma_wait3A_317 = arith.constant 0 : i32
        %dma_wait3A_318 = arith.constant 0 : i32
        %dma_wait3A_319 = tpu.memref_slice %arg17[%dma_wait3A_317, %dma_wait3A_318] : memref<10112x16xf32, #tpu.memory_space<vmem_shared>> -> memref<10112x16xf32, #tpu.memory_space<vmem_shared>>
        tpu.wait_indirect_dma semaphore(%arg29 : memref<!tpu.dma_semaphore, #tpu.memory_space<semaphore_mem>>) src(%arg14 : memref<128x16xf32, #tpu.memory_space<vmem>>) dst(%dma_wait3A_319 : memref<10112x16xf32, #tpu.memory_space<vmem_shared>>)
      } else {
      }
      %dma_start3A_293 = arith.constant 0 : i32
      %dma_start3A_294 = tpu.memref_slice %arg8[%add3A_275, %dma_start3A_293] : memref<80x128xi32, #tpu.memory_space<vmem>> -> memref<1x128xi32, #tpu.memory_space<vmem>>
      %dma_start3A_295 = tpu.memref_squeeze %dma_start3A_294 : memref<1x128xi32, #tpu.memory_space<vmem>> -> memref<128xi32, #tpu.memory_space<vmem>>
      %dma_start3A_296 = arith.constant 0 : i32
      %dma_start3A_297 = arith.constant 0 : i32
      %dma_start3A_298 = tpu.memref_slice %arg17[%dma_start3A_296, %dma_start3A_297] : memref<10112x16xf32, #tpu.memory_space<vmem_shared>> -> memref<10112x16xf32, #tpu.memory_space<vmem_shared>>
      tpu.enqueue_indirect_dma source(%arg14 : memref<128x16xf32, #tpu.memory_space<vmem>>) target(%dma_start3A_298 : memref<10112x16xf32, #tpu.memory_space<vmem_shared>>) offsets(%dma_start3A_295 : memref<128xi32, #tpu.memory_space<vmem>>) semaphore(%arg29 : memref<!tpu.dma_semaphore, #tpu.memory_space<semaphore_mem>>) {add = true}
      %sub3A_299 = arith.constant 1 : i32
      %sub3A_300 = arith.subi %add3A_275, %sub3A_299 : i32
      %max3A_301 = arith.constant 0 : i32
      %max3A_302 = arith.maxsi %sub3A_300, %max3A_301 : i32
      %sub3A_303 = arith.constant 1 : i32
      %sub3A_304 = arith.subi %add3A_275, %sub3A_303 : i32
      %add3A_305 = arith.constant 4 : i32
      %add3A_306 = arith.addi %sub3A_304, %add3A_305 : i32
      %min3A_307 = arith.constant 79 : i32
      %min3A_308 = arith.minsi %add3A_306, %min3A_307 : i32
      %gt3A_309 = arith.constant 0 : i32
      %gt3A_310 = arith.cmpi sgt, %add3A_275, %gt3A_309 : i32
      %convert_element_type3A_311 = arith.extui %gt3A_310 : i1 to i32
      %cond3A_312 = arith.constant 0 : i32
      %cond3A_313 = arith.cmpi ne, %convert_element_type3A_311, %cond3A_312 : i32
      scf.if %cond3A_313 {
        %dma_wait3A_314 = arith.constant 0 : i32
        %dma_wait3A_315 = tpu.memref_slice %arg8[%max3A_302, %dma_wait3A_314] : memref<80x128xi32, #tpu.memory_space<vmem>> -> memref<1x128xi32, #tpu.memory_space<vmem>>
        %dma_wait3A_316 = tpu.memref_squeeze %dma_wait3A_315 : memref<1x128xi32, #tpu.memory_space<vmem>> -> memref<128xi32, #tpu.memory_space<vmem>>
        %dma_wait3A_317 = arith.constant 0 : i32
        %dma_wait3A_318 = arith.constant 0 : i32
        %dma_wait3A_319 = tpu.memref_slice %arg16[%dma_wait3A_317, %dma_wait3A_318] : memref<10112x64xf32, #tpu.memory_space<vmem_shared>> -> memref<10112x64xf32, #tpu.memory_space<vmem_shared>>
        tpu.wait_indirect_dma semaphore(%arg24 : memref<!tpu.dma_semaphore, #tpu.memory_space<semaphore_mem>>) src(%arg11 : memref<128x64xf32, #tpu.memory_space<vmem>>) dst(%dma_wait3A_319 : memref<10112x64xf32, #tpu.memory_space<vmem_shared>>)
        %sub3A_320 = arith.constant 1 : i32
        %sub3A_321 = arith.subi %add3A_275, %sub3A_320 : i32
        %add3A_322 = arith.constant 4 : i32
        %add3A_323 = arith.addi %sub3A_321, %add3A_322 : i32
        %lt3A = arith.constant 80 : i32
        %lt3A_324 = arith.cmpi slt, %add3A_323, %lt3A : i32
        %convert_element_type3A_325 = arith.extui %lt3A_324 : i1 to i32
        %cond3A_326 = arith.constant 0 : i32
        %cond3A_327 = arith.cmpi ne, %convert_element_type3A_325, %cond3A_326 : i32
        scf.if %cond3A_327 {
          %dma_start3A_328 = arith.constant 0 : i32
          %dma_start3A_329 = tpu.memref_slice %arg7[%min3A_308, %dma_start3A_328] : memref<80x128xi32, #tpu.memory_space<vmem>> -> memref<1x128xi32, #tpu.memory_space<vmem>>
          %dma_start3A_330 = tpu.memref_squeeze %dma_start3A_329 : memref<1x128xi32, #tpu.memory_space<vmem>> -> memref<128xi32, #tpu.memory_space<vmem>>
          %dma_start3A_331 = arith.constant 0 : i32
          %dma_start3A_332 = arith.constant 0 : i32
          %dma_start3A_333 = tpu.memref_slice %arg2[%dma_start3A_331, %dma_start3A_332] : memref<40000x64xf32, #tpu.memory_space<hbm>> -> memref<40000x64xf32, #tpu.memory_space<hbm>>
          tpu.enqueue_indirect_dma source(%dma_start3A_333 : memref<40000x64xf32, #tpu.memory_space<hbm>>) target(%arg11 : memref<128x64xf32, #tpu.memory_space<vmem>>) offsets(%dma_start3A_330 : memref<128xi32, #tpu.memory_space<vmem>>) semaphore(%arg20 : memref<!tpu.dma_semaphore, #tpu.memory_space<semaphore_mem>>)
        } else {
        }
      } else {
      }
    }
    %scan3A_49 = arith.constant 20 : i32
    %dma_wait3A = arith.constant 79 : i32
    %dma_wait3A_50 = arith.constant 0 : i32
    %dma_wait3A_51 = tpu.memref_slice %arg8[%dma_wait3A, %dma_wait3A_50] : memref<80x128xi32, #tpu.memory_space<vmem>> -> memref<1x128xi32, #tpu.memory_space<vmem>>
    %dma_wait3A_52 = tpu.memref_squeeze %dma_wait3A_51 : memref<1x128xi32, #tpu.memory_space<vmem>> -> memref<128xi32, #tpu.memory_space<vmem>>
    %dma_wait3A_53 = arith.constant 0 : i32
    %dma_wait3A_54 = arith.constant 0 : i32
    %dma_wait3A_55 = tpu.memref_slice %arg16[%dma_wait3A_53, %dma_wait3A_54] : memref<10112x64xf32, #tpu.memory_space<vmem_shared>> -> memref<10112x64xf32, #tpu.memory_space<vmem_shared>>
    tpu.wait_indirect_dma semaphore(%arg25 : memref<!tpu.dma_semaphore, #tpu.memory_space<semaphore_mem>>) src(%arg12 : memref<128x64xf32, #tpu.memory_space<vmem>>) dst(%dma_wait3A_55 : memref<10112x64xf32, #tpu.memory_space<vmem_shared>>)
    %dma_wait3A_56 = arith.constant 0 : i32
    %dma_wait3A_57 = arith.constant 0 : i32
    %dma_wait3A_58 = tpu.memref_slice %arg8[%dma_wait3A_56, %dma_wait3A_57] : memref<80x128xi32, #tpu.memory_space<vmem>> -> memref<1x128xi32, #tpu.memory_space<vmem>>
    %dma_wait3A_59 = tpu.memref_squeeze %dma_wait3A_58 : memref<1x128xi32, #tpu.memory_space<vmem>> -> memref<128xi32, #tpu.memory_space<vmem>>
    %dma_wait3A_60 = arith.constant 0 : i32
    %dma_wait3A_61 = arith.constant 0 : i32
    %dma_wait3A_62 = tpu.memref_slice %arg17[%dma_wait3A_60, %dma_wait3A_61] : memref<10112x16xf32, #tpu.memory_space<vmem_shared>> -> memref<10112x16xf32, #tpu.memory_space<vmem_shared>>
    tpu.wait_indirect_dma semaphore(%arg26 : memref<!tpu.dma_semaphore, #tpu.memory_space<semaphore_mem>>) src(%arg14 : memref<128x16xf32, #tpu.memory_space<vmem>>) dst(%dma_wait3A_62 : memref<10112x16xf32, #tpu.memory_space<vmem_shared>>)
    %dma_wait3A_63 = arith.constant 0 : i32
    %dma_wait3A_64 = arith.constant 0 : i32
    %dma_wait3A_65 = tpu.memref_slice %arg8[%dma_wait3A_63, %dma_wait3A_64] : memref<80x128xi32, #tpu.memory_space<vmem>> -> memref<1x128xi32, #tpu.memory_space<vmem>>
    %dma_wait3A_66 = tpu.memref_squeeze %dma_wait3A_65 : memref<1x128xi32, #tpu.memory_space<vmem>> -> memref<128xi32, #tpu.memory_space<vmem>>
    %dma_wait3A_67 = arith.constant 0 : i32
    %dma_wait3A_68 = arith.constant 0 : i32
    %dma_wait3A_69 = tpu.memref_slice %arg17[%dma_wait3A_67, %dma_wait3A_68] : memref<10112x16xf32, #tpu.memory_space<vmem_shared>> -> memref<10112x16xf32, #tpu.memory_space<vmem_shared>>
    tpu.wait_indirect_dma semaphore(%arg27 : memref<!tpu.dma_semaphore, #tpu.memory_space<semaphore_mem>>) src(%arg14 : memref<128x16xf32, #tpu.memory_space<vmem>>) dst(%dma_wait3A_69 : memref<10112x16xf32, #tpu.memory_space<vmem_shared>>)
    %dma_wait3A_70 = arith.constant 0 : i32
    %dma_wait3A_71 = arith.constant 0 : i32
    %dma_wait3A_72 = tpu.memref_slice %arg8[%dma_wait3A_70, %dma_wait3A_71] : memref<80x128xi32, #tpu.memory_space<vmem>> -> memref<1x128xi32, #tpu.memory_space<vmem>>
    %dma_wait3A_73 = tpu.memref_squeeze %dma_wait3A_72 : memref<1x128xi32, #tpu.memory_space<vmem>> -> memref<128xi32, #tpu.memory_space<vmem>>
    %dma_wait3A_74 = arith.constant 0 : i32
    %dma_wait3A_75 = arith.constant 0 : i32
    %dma_wait3A_76 = tpu.memref_slice %arg17[%dma_wait3A_74, %dma_wait3A_75] : memref<10112x16xf32, #tpu.memory_space<vmem_shared>> -> memref<10112x16xf32, #tpu.memory_space<vmem_shared>>
    tpu.wait_indirect_dma semaphore(%arg28 : memref<!tpu.dma_semaphore, #tpu.memory_space<semaphore_mem>>) src(%arg14 : memref<128x16xf32, #tpu.memory_space<vmem>>) dst(%dma_wait3A_76 : memref<10112x16xf32, #tpu.memory_space<vmem_shared>>)
    %dma_wait3A_77 = arith.constant 0 : i32
    %dma_wait3A_78 = arith.constant 0 : i32
    %dma_wait3A_79 = tpu.memref_slice %arg8[%dma_wait3A_77, %dma_wait3A_78] : memref<80x128xi32, #tpu.memory_space<vmem>> -> memref<1x128xi32, #tpu.memory_space<vmem>>
    %dma_wait3A_80 = tpu.memref_squeeze %dma_wait3A_79 : memref<1x128xi32, #tpu.memory_space<vmem>> -> memref<128xi32, #tpu.memory_space<vmem>>
    %dma_wait3A_81 = arith.constant 0 : i32
    %dma_wait3A_82 = arith.constant 0 : i32
    %dma_wait3A_83 = tpu.memref_slice %arg17[%dma_wait3A_81, %dma_wait3A_82] : memref<10112x16xf32, #tpu.memory_space<vmem_shared>> -> memref<10112x16xf32, #tpu.memory_space<vmem_shared>>
    tpu.wait_indirect_dma semaphore(%arg29 : memref<!tpu.dma_semaphore, #tpu.memory_space<semaphore_mem>>) src(%arg14 : memref<128x16xf32, #tpu.memory_space<vmem>>) dst(%dma_wait3A_83 : memref<10112x16xf32, #tpu.memory_space<vmem_shared>>)
    %scan3A_84 = arith.constant 0 : i32
    %scan3A_85 = arith.constant 80 : i32
    %scan3A_86 = arith.addi %scan3A_84, %scan3A_85 : i32
    %scan3A_87 = arith.constant 1 : i32
    scf.for %scan3A_147 = %scan3A_84 to %scan3A_86 step %scan3A_87  : i32 {
      %mul3A_148 = arith.constant 1 : i32
      %mul3A_149 = arith.muli %scan3A_147, %mul3A_148 : i32
      %add3A_150 = arith.constant 0 : i32
      %add3A_151 = arith.addi %add3A_150, %mul3A_149 : i32
      %get3A = arith.index_cast %add3A_151 : i32 to index
      %get3A_152 = arith.constant 0 : index
      %get3A_153 = tpu.vector_load %arg7[%get3A, %get3A_152] {strides = array<i32>} : memref<80x128xi32, #tpu.memory_space<vmem>>, vector<1x16xi32>,
      %get3A_154 = vector.shape_cast %get3A_153 : vector<1x16xi32> to vector<16xi32>
      %add3A_155 = arith.constant 1 : i32
      %add3A_156 = vector.broadcast %add3A_155 : i32 to vector<16xi32>
      %add3A_157 = arith.addi %get3A_154, %add3A_156 : vector<16xi32>
      %swap3A = arith.index_cast %add3A_151 : i32 to index
      %swap3A_158 = arith.constant 0 : index
      %swap3A_159 = tpu.vector_load %arg7[%swap3A, %swap3A_158] {strides = array<i32>} : memref<80x128xi32, #tpu.memory_space<vmem>>, vector<1x16xi32>,
      %swap3A_160 = vector.shape_cast %swap3A_159 : vector<1x16xi32> to vector<16xi32>
      %swap3A_161 = vector.shape_cast %add3A_157 : vector<16xi32> to vector<1x16xi32>
      tpu.vector_store %arg7[%swap3A, %swap3A_158], %swap3A_161 {strides = array<i32>} : memref<80x128xi32, #tpu.memory_space<vmem>>, vector<1x16xi32>,
      %get3A_162 = arith.index_cast %add3A_151 : i32 to index
      %get3A_163 = arith.constant 16 : index
      %get3A_164 = tpu.vector_load %arg7[%get3A_162, %get3A_163] {strides = array<i32>} : memref<80x128xi32, #tpu.memory_space<vmem>>, vector<1x16xi32>,
      %get3A_165 = vector.shape_cast %get3A_164 : vector<1x16xi32> to vector<16xi32>
      %add3A_166 = arith.constant 1 : i32
      %add3A_167 = vector.broadcast %add3A_166 : i32 to vector<16xi32>
      %add3A_168 = arith.addi %get3A_165, %add3A_167 : vector<16xi32>
      %swap3A_169 = arith.index_cast %add3A_151 : i32 to index
      %swap3A_170 = arith.constant 16 : index
      %swap3A_171 = tpu.vector_load %arg7[%swap3A_169, %swap3A_170] {strides = array<i32>} : memref<80x128xi32, #tpu.memory_space<vmem>>, vector<1x16xi32>,
      %swap3A_172 = vector.shape_cast %swap3A_171 : vector<1x16xi32> to vector<16xi32>
      %swap3A_173 = vector.shape_cast %add3A_168 : vector<16xi32> to vector<1x16xi32>
      tpu.vector_store %arg7[%swap3A_169, %swap3A_170], %swap3A_173 {strides = array<i32>} : memref<80x128xi32, #tpu.memory_space<vmem>>, vector<1x16xi32>,
      %get3A_174 = arith.index_cast %add3A_151 : i32 to index
      %get3A_175 = arith.constant 32 : index
      %get3A_176 = tpu.vector_load %arg7[%get3A_174, %get3A_175] {strides = array<i32>} : memref<80x128xi32, #tpu.memory_space<vmem>>, vector<1x16xi32>,
      %get3A_177 = vector.shape_cast %get3A_176 : vector<1x16xi32> to vector<16xi32>
      %add3A_178 = arith.constant 1 : i32
      %add3A_179 = vector.broadcast %add3A_178 : i32 to vector<16xi32>
      %add3A_180 = arith.addi %get3A_177, %add3A_179 : vector<16xi32>
      %swap3A_181 = arith.index_cast %add3A_151 : i32 to index
      %swap3A_182 = arith.constant 32 : index
      %swap3A_183 = tpu.vector_load %arg7[%swap3A_181, %swap3A_182] {strides = array<i32>} : memref<80x128xi32, #tpu.memory_space<vmem>>, vector<1x16xi32>,
      %swap3A_184 = vector.shape_cast %swap3A_183 : vector<1x16xi32> to vector<16xi32>
      %swap3A_185 = vector.shape_cast %add3A_180 : vector<16xi32> to vector<1x16xi32>
      tpu.vector_store %arg7[%swap3A_181, %swap3A_182], %swap3A_185 {strides = array<i32>} : memref<80x128xi32, #tpu.memory_space<vmem>>, vector<1x16xi32>,
      %get3A_186 = arith.index_cast %add3A_151 : i32 to index
      %get3A_187 = arith.constant 48 : index
      %get3A_188 = tpu.vector_load %arg7[%get3A_186, %get3A_187] {strides = array<i32>} : memref<80x128xi32, #tpu.memory_space<vmem>>, vector<1x16xi32>,
      %get3A_189 = vector.shape_cast %get3A_188 : vector<1x16xi32> to vector<16xi32>
      %add3A_190 = arith.constant 1 : i32
      %add3A_191 = vector.broadcast %add3A_190 : i32 to vector<16xi32>
      %add3A_192 = arith.addi %get3A_189, %add3A_191 : vector<16xi32>
      %swap3A_193 = arith.index_cast %add3A_151 : i32 to index
      %swap3A_194 = arith.constant 48 : index
      %swap3A_195 = tpu.vector_load %arg7[%swap3A_193, %swap3A_194] {strides = array<i32>} : memref<80x128xi32, #tpu.memory_space<vmem>>, vector<1x16xi32>,
      %swap3A_196 = vector.shape_cast %swap3A_195 : vector<1x16xi32> to vector<16xi32>
      %swap3A_197 = vector.shape_cast %add3A_192 : vector<16xi32> to vector<1x16xi32>
      tpu.vector_store %arg7[%swap3A_193, %swap3A_194], %swap3A_197 {strides = array<i32>} : memref<80x128xi32, #tpu.memory_space<vmem>>, vector<1x16xi32>,
      %get3A_198 = arith.index_cast %add3A_151 : i32 to index
      %get3A_199 = arith.constant 64 : index
      %get3A_200 = tpu.vector_load %arg7[%get3A_198, %get3A_199] {strides = array<i32>} : memref<80x128xi32, #tpu.memory_space<vmem>>, vector<1x16xi32>,
      %get3A_201 = vector.shape_cast %get3A_200 : vector<1x16xi32> to vector<16xi32>
      %add3A_202 = arith.constant 1 : i32
      %add3A_203 = vector.broadcast %add3A_202 : i32 to vector<16xi32>
      %add3A_204 = arith.addi %get3A_201, %add3A_203 : vector<16xi32>
      %swap3A_205 = arith.index_cast %add3A_151 : i32 to index
      %swap3A_206 = arith.constant 64 : index
      %swap3A_207 = tpu.vector_load %arg7[%swap3A_205, %swap3A_206] {strides = array<i32>} : memref<80x128xi32, #tpu.memory_space<vmem>>, vector<1x16xi32>,
      %swap3A_208 = vector.shape_cast %swap3A_207 : vector<1x16xi32> to vector<16xi32>
      %swap3A_209 = vector.shape_cast %add3A_204 : vector<16xi32> to vector<1x16xi32>
      tpu.vector_store %arg7[%swap3A_205, %swap3A_206], %swap3A_209 {strides = array<i32>} : memref<80x128xi32, #tpu.memory_space<vmem>>, vector<1x16xi32>,
      %get3A_210 = arith.index_cast %add3A_151 : i32 to index
      %get3A_211 = arith.constant 80 : index
      %get3A_212 = tpu.vector_load %arg7[%get3A_210, %get3A_211] {strides = array<i32>} : memref<80x128xi32, #tpu.memory_space<vmem>>, vector<1x16xi32>,
      %get3A_213 = vector.shape_cast %get3A_212 : vector<1x16xi32> to vector<16xi32>
      %add3A_214 = arith.constant 1 : i32
      %add3A_215 = vector.broadcast %add3A_214 : i32 to vector<16xi32>
      %add3A_216 = arith.addi %get3A_213, %add3A_215 : vector<16xi32>
      %swap3A_217 = arith.index_cast %add3A_151 : i32 to index
      %swap3A_218 = arith.constant 80 : index
      %swap3A_219 = tpu.vector_load %arg7[%swap3A_217, %swap3A_218] {strides = array<i32>} : memref<80x128xi32, #tpu.memory_space<vmem>>, vector<1x16xi32>,
      %swap3A_220 = vector.shape_cast %swap3A_219 : vector<1x16xi32> to vector<16xi32>
      %swap3A_221 = vector.shape_cast %add3A_216 : vector<16xi32> to vector<1x16xi32>
      tpu.vector_store %arg7[%swap3A_217, %swap3A_218], %swap3A_221 {strides = array<i32>} : memref<80x128xi32, #tpu.memory_space<vmem>>, vector<1x16xi32>,
      %get3A_222 = arith.index_cast %add3A_151 : i32 to index
      %get3A_223 = arith.constant 96 : index
      %get3A_224 = tpu.vector_load %arg7[%get3A_222, %get3A_223] {strides = array<i32>} : memref<80x128xi32, #tpu.memory_space<vmem>>, vector<1x16xi32>,
      %get3A_225 = vector.shape_cast %get3A_224 : vector<1x16xi32> to vector<16xi32>
      %add3A_226 = arith.constant 1 : i32
      %add3A_227 = vector.broadcast %add3A_226 : i32 to vector<16xi32>
      %add3A_228 = arith.addi %get3A_225, %add3A_227 : vector<16xi32>
      %swap3A_229 = arith.index_cast %add3A_151 : i32 to index
      %swap3A_230 = arith.constant 96 : index
      %swap3A_231 = tpu.vector_load %arg7[%swap3A_229, %swap3A_230] {strides = array<i32>} : memref<80x128xi32, #tpu.memory_space<vmem>>, vector<1x16xi32>,
      %swap3A_232 = vector.shape_cast %swap3A_231 : vector<1x16xi32> to vector<16xi32>
      %swap3A_233 = vector.shape_cast %add3A_228 : vector<16xi32> to vector<1x16xi32>
      tpu.vector_store %arg7[%swap3A_229, %swap3A_230], %swap3A_233 {strides = array<i32>} : memref<80x128xi32, #tpu.memory_space<vmem>>, vector<1x16xi32>,
      %get3A_234 = arith.index_cast %add3A_151 : i32 to index
      %get3A_235 = arith.constant 112 : index
      %get3A_236 = tpu.vector_load %arg7[%get3A_234, %get3A_235] {strides = array<i32>} : memref<80x128xi32, #tpu.memory_space<vmem>>, vector<1x16xi32>,
      %get3A_237 = vector.shape_cast %get3A_236 : vector<1x16xi32> to vector<16xi32>
      %add3A_238 = arith.constant 1 : i32
      %add3A_239 = vector.broadcast %add3A_238 : i32 to vector<16xi32>
      %add3A_240 = arith.addi %get3A_237, %add3A_239 : vector<16xi32>
      %swap3A_241 = arith.index_cast %add3A_151 : i32 to index
      %swap3A_242 = arith.constant 112 : index
      %swap3A_243 = tpu.vector_load %arg7[%swap3A_241, %swap3A_242] {strides = array<i32>} : memref<80x128xi32, #tpu.memory_space<vmem>>, vector<1x16xi32>,
      %swap3A_244 = vector.shape_cast %swap3A_243 : vector<1x16xi32> to vector<16xi32>
      %swap3A_245 = vector.shape_cast %add3A_240 : vector<16xi32> to vector<1x16xi32>
      tpu.vector_store %arg7[%swap3A_241, %swap3A_242], %swap3A_245 {strides = array<i32>} : memref<80x128xi32, #tpu.memory_space<vmem>>, vector<1x16xi32>,
    }
    %scan3A_88 = arith.constant 80 : i32
    %dma_start3A_89 = arith.constant 0 : i32
    %dma_start3A_90 = arith.constant 0 : i32
    %dma_start3A_91 = tpu.memref_slice %arg7[%dma_start3A_89, %dma_start3A_90] : memref<80x128xi32, #tpu.memory_space<vmem>> -> memref<1x128xi32, #tpu.memory_space<vmem>>
    %dma_start3A_92 = tpu.memref_squeeze %dma_start3A_91 : memref<1x128xi32, #tpu.memory_space<vmem>> -> memref<128xi32, #tpu.memory_space<vmem>>
    %dma_start3A_93 = arith.constant 0 : i32
    %dma_start3A_94 = arith.constant 0 : i32
    %dma_start3A_95 = tpu.memref_slice %arg2[%dma_start3A_93, %dma_start3A_94] : memref<40000x64xf32, #tpu.memory_space<hbm>> -> memref<40000x64xf32, #tpu.memory_space<hbm>>
    tpu.enqueue_indirect_dma source(%dma_start3A_95 : memref<40000x64xf32, #tpu.memory_space<hbm>>) target(%arg9 : memref<128x64xf32, #tpu.memory_space<vmem>>) offsets(%dma_start3A_92 : memref<128xi32, #tpu.memory_space<vmem>>) semaphore(%arg18 : memref<!tpu.dma_semaphore, #tpu.memory_space<semaphore_mem>>)
    %dma_start3A_96 = arith.constant 1 : i32
    %dma_start3A_97 = arith.constant 0 : i32
    %dma_start3A_98 = tpu.memref_slice %arg7[%dma_start3A_96, %dma_start3A_97] : memref<80x128xi32, #tpu.memory_space<vmem>> -> memref<1x128xi32, #tpu.memory_space<vmem>>
    %dma_start3A_99 = tpu.memref_squeeze %dma_start3A_98 : memref<1x128xi32, #tpu.memory_space<vmem>> -> memref<128xi32, #tpu.memory_space<vmem>>
    %dma_start3A_100 = arith.constant 0 : i32
    %dma_start3A_101 = arith.constant 0 : i32
    %dma_start3A_102 = tpu.memref_slice %arg2[%dma_start3A_100, %dma_start3A_101] : memref<40000x64xf32, #tpu.memory_space<hbm>> -> memref<40000x64xf32, #tpu.memory_space<hbm>>
    tpu.enqueue_indirect_dma source(%dma_start3A_102 : memref<40000x64xf32, #tpu.memory_space<hbm>>) target(%arg10 : memref<128x64xf32, #tpu.memory_space<vmem>>) offsets(%dma_start3A_99 : memref<128xi32, #tpu.memory_space<vmem>>) semaphore(%arg19 : memref<!tpu.dma_semaphore, #tpu.memory_space<semaphore_mem>>)
    %dma_start3A_103 = arith.constant 2 : i32
    %dma_start3A_104 = arith.constant 0 : i32
    %dma_start3A_105 = tpu.memref_slice %arg7[%dma_start3A_103, %dma_start3A_104] : memref<80x128xi32, #tpu.memory_space<vmem>> -> memref<1x128xi32, #tpu.memory_space<vmem>>
    %dma_start3A_106 = tpu.memref_squeeze %dma_start3A_105 : memref<1x128xi32, #tpu.memory_space<vmem>> -> memref<128xi32, #tpu.memory_space<vmem>>
    %dma_start3A_107 = arith.constant 0 : i32
    %dma_start3A_108 = arith.constant 0 : i32
    %dma_start3A_109 = tpu.memref_slice %arg2[%dma_start3A_107, %dma_start3A_108] : memref<40000x64xf32, #tpu.memory_space<hbm>> -> memref<40000x64xf32, #tpu.memory_space<hbm>>
    tpu.enqueue_indirect_dma source(%dma_start3A_109 : memref<40000x64xf32, #tpu.memory_space<hbm>>) target(%arg11 : memref<128x64xf32, #tpu.memory_space<vmem>>) offsets(%dma_start3A_106 : memref<128xi32, #tpu.memory_space<vmem>>) semaphore(%arg20 : memref<!tpu.dma_semaphore, #tpu.memory_space<semaphore_mem>>)
    %dma_start3A_110 = arith.constant 3 : i32
    %dma_start3A_111 = arith.constant 0 : i32
    %dma_start3A_112 = tpu.memref_slice %arg7[%dma_start3A_110, %dma_start3A_111] : memref<80x128xi32, #tpu.memory_space<vmem>> -> memref<1x128xi32, #tpu.memory_space<vmem>>
    %dma_start3A_113 = tpu.memref_squeeze %dma_start3A_112 : memref<1x128xi32, #tpu.memory_space<vmem>> -> memref<128xi32, #tpu.memory_space<vmem>>
    %dma_start3A_114 = arith.constant 0 : i32
    %dma_start3A_115 = arith.constant 0 : i32
    %dma_start3A_116 = tpu.memref_slice %arg2[%dma_start3A_114, %dma_start3A_115] : memref<40000x64xf32, #tpu.memory_space<hbm>> -> memref<40000x64xf32, #tpu.memory_space<hbm>>
    tpu.enqueue_indirect_dma source(%dma_start3A_116 : memref<40000x64xf32, #tpu.memory_space<hbm>>) target(%arg12 : memref<128x64xf32, #tpu.memory_space<vmem>>) offsets(%dma_start3A_113 : memref<128xi32, #tpu.memory_space<vmem>>) semaphore(%arg21 : memref<!tpu.dma_semaphore, #tpu.memory_space<semaphore_mem>>)
    %barrier3A_117 = arith.constant 0 : index
    tpu.barrier barrier_id(%barrier3A_117)
    %mul3A_118 = arith.constant 2 : i32
    %mul3A_119 = arith.muli %mul3A_118, %arg0 : i32
    %scan3A_120 = arith.constant 0 : i32
    %scan3A_121 = arith.constant 5 : i32
    %scan3A_122 = arith.addi %scan3A_120, %scan3A_121 : i32
    %scan3A_123 = arith.constant 1 : i32
    scf.for %scan3A_147 = %scan3A_120 to %scan3A_122 step %scan3A_123  : i32 {
      %mul3A_148 = arith.constant 1 : i32
      %mul3A_149 = arith.muli %scan3A_147, %mul3A_148 : i32
      %add3A_150 = arith.constant 0 : i32
      %add3A_151 = arith.addi %add3A_150, %mul3A_149 : i32
      %mul3A_152 = arith.constant 16 : i32
      %mul3A_153 = arith.muli %add3A_151, %mul3A_152 : i32
      %add3A_154 = arith.addi %mul3A_153, %arg1 : i32
      %lt3A = arith.constant 79 : i32
      %lt3A_155 = arith.cmpi slt, %add3A_154, %lt3A : i32
      %convert_element_type3A = arith.extui %lt3A_155 : i1 to i32
      %cond3A = arith.constant 0 : i32
      %cond3A_156 = arith.cmpi ne, %convert_element_type3A, %cond3A : i32
      scf.if %cond3A_156 {
        %mul3A_157 = arith.constant 128 : i32
        %mul3A_158 = arith.muli %add3A_154, %mul3A_157 : i32
        "tpu.region"() ({
          %run_scoped3A = tpu.sem_alloc : memref<!tpu.dma_semaphore, #tpu.memory_space<semaphore_mem>>
          %dma_start3A_175 = arith.constant 0 : i32
          %dma_start3A_176 = tpu.memref_slice %arg16[%mul3A_158, %dma_start3A_175] : memref<10112x64xf32, #tpu.memory_space<vmem_shared>> -> memref<128x64xf32, #tpu.memory_space<vmem_shared>>
          %dma_start3A_177 = arith.constant 0 : i32
          %dma_start3A_178 = tpu.memref_slice %arg16[%mul3A_158, %dma_start3A_177] : memref<10112x64xf32, #tpu.memory_space<vmem_shared>> -> memref<128x64xf32, #tpu.memory_space<vmem_shared>>
          tpu.enqueue_dma source(%dma_start3A_178 : memref<128x64xf32, #tpu.memory_space<vmem_shared>>) target(%arg13 : memref<128x64xf32, #tpu.memory_space<vmem>>) target_semaphore(%run_scoped3A : memref<!tpu.dma_semaphore, #tpu.memory_space<semaphore_mem>>)
          %dma_wait3A_179 = arith.constant 0 : i32
          %dma_wait3A_180 = tpu.memref_slice %arg16[%mul3A_158, %dma_wait3A_179] : memref<10112x64xf32, #tpu.memory_space<vmem_shared>> -> memref<128x64xf32, #tpu.memory_space<vmem_shared>>
          %dma_wait3A_181 = arith.constant 0 : i32
          %dma_wait3A_182 = tpu.memref_slice %arg16[%mul3A_158, %dma_wait3A_181] : memref<10112x64xf32, #tpu.memory_space<vmem_shared>> -> memref<128x64xf32, #tpu.memory_space<vmem_shared>>
          tpu.wait_dma2 semaphore(%run_scoped3A : memref<!tpu.dma_semaphore, #tpu.memory_space<semaphore_mem>>) src(%dma_wait3A_182 : memref<128x64xf32, #tpu.memory_space<vmem_shared>>) dst(%arg13 : memref<128x64xf32, #tpu.memory_space<vmem>>)
          tpu.yield
        }) : () -> ()
        "tpu.region"() ({
          %run_scoped3A = tpu.sem_alloc : memref<!tpu.dma_semaphore, #tpu.memory_space<semaphore_mem>>
          %dma_start3A_175 = arith.constant 0 : i32
          %dma_start3A_176 = tpu.memref_slice %arg17[%mul3A_158, %dma_start3A_175] : memref<10112x16xf32, #tpu.memory_space<vmem_shared>> -> memref<128x16xf32, #tpu.memory_space<vmem_shared>>
          %dma_start3A_177 = arith.constant 0 : i32
          %dma_start3A_178 = tpu.memref_slice %arg17[%mul3A_158, %dma_start3A_177] : memref<10112x16xf32, #tpu.memory_space<vmem_shared>> -> memref<128x16xf32, #tpu.memory_space<vmem_shared>>
          tpu.enqueue_dma source(%dma_start3A_178 : memref<128x16xf32, #tpu.memory_space<vmem_shared>>) target(%arg15 : memref<128x16xf32, #tpu.memory_space<vmem>>) target_semaphore(%run_scoped3A : memref<!tpu.dma_semaphore, #tpu.memory_space<semaphore_mem>>)
          %dma_wait3A_179 = arith.constant 0 : i32
          %dma_wait3A_180 = tpu.memref_slice %arg17[%mul3A_158, %dma_wait3A_179] : memref<10112x16xf32, #tpu.memory_space<vmem_shared>> -> memref<128x16xf32, #tpu.memory_space<vmem_shared>>
          %dma_wait3A_181 = arith.constant 0 : i32
          %dma_wait3A_182 = tpu.memref_slice %arg17[%mul3A_158, %dma_wait3A_181] : memref<10112x16xf32, #tpu.memory_space<vmem_shared>> -> memref<128x16xf32, #tpu.memory_space<vmem_shared>>
          tpu.wait_dma2 semaphore(%run_scoped3A : memref<!tpu.dma_semaphore, #tpu.memory_space<semaphore_mem>>) src(%dma_wait3A_182 : memref<128x16xf32, #tpu.memory_space<vmem_shared>>) dst(%arg15 : memref<128x16xf32, #tpu.memory_space<vmem>>)
          tpu.yield
        }) : () -> ()
        "tpu.region"() ({
          %run_scoped3A = tpu.sem_alloc : memref<!tpu.dma_semaphore, #tpu.memory_space<semaphore_mem>>
          %dma_start3A_175 = arith.constant 0 : i32
          %dma_start3A_176 = tpu.memref_slice %arg16[%mul3A_158, %dma_start3A_175] : memref<10112x64xf32, #tpu.memory_space<vmem_shared>> -> memref<128x64xf32, #tpu.memory_space<vmem_shared>>
          tpu.enqueue_dma source(%arg5 : memref<128x64xf32, #tpu.memory_space<hbm>>) target(%dma_start3A_176 : memref<128x64xf32, #tpu.memory_space<vmem_shared>>) target_semaphore(%run_scoped3A : memref<!tpu.dma_semaphore, #tpu.memory_space<semaphore_mem>>)
          %dma_wait3A_177 = arith.constant 0 : i32
          %dma_wait3A_178 = tpu.memref_slice %arg16[%mul3A_158, %dma_wait3A_177] : memref<10112x64xf32, #tpu.memory_space<vmem_shared>> -> memref<128x64xf32, #tpu.memory_space<vmem_shared>>
          tpu.wait_dma2 semaphore(%run_scoped3A : memref<!tpu.dma_semaphore, #tpu.memory_space<semaphore_mem>>) src(%arg5 : memref<128x64xf32, #tpu.memory_space<hbm>>) dst(%dma_wait3A_178 : memref<128x64xf32, #tpu.memory_space<vmem_shared>>)
          tpu.yield
        }) : () -> ()
        %scan3A_159 = arith.constant 0 : i32
        %scan3A_160 = arith.constant 128 : i32
        %scan3A_161 = arith.addi %scan3A_159, %scan3A_160 : i32
        %scan3A_162 = arith.constant 1 : i32
        scf.for %scan3A_175 = %scan3A_159 to %scan3A_161 step %scan3A_162  : i32 {
          %mul3A_176 = arith.constant 1 : i32
          %mul3A_177 = arith.muli %scan3A_175, %mul3A_176 : i32
          %add3A_178 = arith.constant 0 : i32
          %add3A_179 = arith.addi %add3A_178, %mul3A_177 : i32
          %get3A = arith.index_cast %add3A_179 : i32 to index
          %get3A_180 = arith.constant 0 : index
          %get3A_181 = tpu.vector_load %arg15[%get3A, %get3A_180] {strides = array<i32>} : memref<128x16xf32, #tpu.memory_space<vmem>>, vector<1x16xf32>,
          %get3A_182 = vector.shape_cast %get3A_181 : vector<1x16xf32> to vector<16xf32>
          %max3A = arith.constant 1.000000e+00 : f32
          %max3A_183 = vector.broadcast %max3A : f32 to vector<16xf32>
          %max3A_184 = arith.maximumf %get3A_182, %max3A_183 : vector<16xf32>
          %div3A = arith.constant 1.000000e+00 : f32
          %div3A_185 = vector.broadcast %div3A : f32 to vector<16xf32>
          %div3A_186 = arith.divf %div3A_185, %max3A_184 : vector<16xf32>
          %get3A_187 = arith.index_cast %add3A_179 : i32 to index
          %get3A_188 = arith.constant 0 : index
          %get3A_189 = tpu.vector_load %arg13[%get3A_187, %get3A_188] {strides = array<i32>} : memref<128x64xf32, #tpu.memory_space<vmem>>, vector<1x16xf32>,
          %get3A_190 = vector.shape_cast %get3A_189 : vector<1x16xf32> to vector<16xf32>
          %mul3A_191 = arith.mulf %get3A_190, %div3A_186 : vector<16xf32>
          %swap3A = arith.index_cast %add3A_179 : i32 to index
          %swap3A_192 = arith.constant 0 : index
          %swap3A_193 = tpu.vector_load %arg13[%swap3A, %swap3A_192] {strides = array<i32>} : memref<128x64xf32, #tpu.memory_space<vmem>>, vector<1x16xf32>,
          %swap3A_194 = vector.shape_cast %swap3A_193 : vector<1x16xf32> to vector<16xf32>
          %swap3A_195 = vector.shape_cast %mul3A_191 : vector<16xf32> to vector<1x16xf32>
          tpu.vector_store %arg13[%swap3A, %swap3A_192], %swap3A_195 {strides = array<i32>} : memref<128x64xf32, #tpu.memory_space<vmem>>, vector<1x16xf32>,
          %get3A_196 = arith.index_cast %add3A_179 : i32 to index
          %get3A_197 = arith.constant 16 : index
          %get3A_198 = tpu.vector_load %arg13[%get3A_196, %get3A_197] {strides = array<i32>} : memref<128x64xf32, #tpu.memory_space<vmem>>, vector<1x16xf32>,
          %get3A_199 = vector.shape_cast %get3A_198 : vector<1x16xf32> to vector<16xf32>
          %mul3A_200 = arith.mulf %get3A_199, %div3A_186 : vector<16xf32>
          %swap3A_201 = arith.index_cast %add3A_179 : i32 to index
          %swap3A_202 = arith.constant 16 : index
          %swap3A_203 = tpu.vector_load %arg13[%swap3A_201, %swap3A_202] {strides = array<i32>} : memref<128x64xf32, #tpu.memory_space<vmem>>, vector<1x16xf32>,
          %swap3A_204 = vector.shape_cast %swap3A_203 : vector<1x16xf32> to vector<16xf32>
          %swap3A_205 = vector.shape_cast %mul3A_200 : vector<16xf32> to vector<1x16xf32>
          tpu.vector_store %arg13[%swap3A_201, %swap3A_202], %swap3A_205 {strides = array<i32>} : memref<128x64xf32, #tpu.memory_space<vmem>>, vector<1x16xf32>,
          %get3A_206 = arith.index_cast %add3A_179 : i32 to index
          %get3A_207 = arith.constant 32 : index
          %get3A_208 = tpu.vector_load %arg13[%get3A_206, %get3A_207] {strides = array<i32>} : memref<128x64xf32, #tpu.memory_space<vmem>>, vector<1x16xf32>,
          %get3A_209 = vector.shape_cast %get3A_208 : vector<1x16xf32> to vector<16xf32>
          %mul3A_210 = arith.mulf %get3A_209, %div3A_186 : vector<16xf32>
          %swap3A_211 = arith.index_cast %add3A_179 : i32 to index
          %swap3A_212 = arith.constant 32 : index
          %swap3A_213 = tpu.vector_load %arg13[%swap3A_211, %swap3A_212] {strides = array<i32>} : memref<128x64xf32, #tpu.memory_space<vmem>>, vector<1x16xf32>,
          %swap3A_214 = vector.shape_cast %swap3A_213 : vector<1x16xf32> to vector<16xf32>
          %swap3A_215 = vector.shape_cast %mul3A_210 : vector<16xf32> to vector<1x16xf32>
          tpu.vector_store %arg13[%swap3A_211, %swap3A_212], %swap3A_215 {strides = array<i32>} : memref<128x64xf32, #tpu.memory_space<vmem>>, vector<1x16xf32>,
          %get3A_216 = arith.index_cast %add3A_179 : i32 to index
          %get3A_217 = arith.constant 48 : index
          %get3A_218 = tpu.vector_load %arg13[%get3A_216, %get3A_217] {strides = array<i32>} : memref<128x64xf32, #tpu.memory_space<vmem>>, vector<1x16xf32>,
          %get3A_219 = vector.shape_cast %get3A_218 : vector<1x16xf32> to vector<16xf32>
          %mul3A_220 = arith.mulf %get3A_219, %div3A_186 : vector<16xf32>
          %swap3A_221 = arith.index_cast %add3A_179 : i32 to index
          %swap3A_222 = arith.constant 48 : index
          %swap3A_223 = tpu.vector_load %arg13[%swap3A_221, %swap3A_222] {strides = array<i32>} : memref<128x64xf32, #tpu.memory_space<vmem>>, vector<1x16xf32>,
          %swap3A_224 = vector.shape_cast %swap3A_223 : vector<1x16xf32> to vector<16xf32>
          %swap3A_225 = vector.shape_cast %mul3A_220 : vector<16xf32> to vector<1x16xf32>
          tpu.vector_store %arg13[%swap3A_221, %swap3A_222], %swap3A_225 {strides = array<i32>} : memref<128x64xf32, #tpu.memory_space<vmem>>, vector<1x16xf32>,
        }
        %scan3A_163 = arith.constant 128 : i32
        %mul3A_164 = arith.constant 64 : i32
        %mul3A_165 = arith.muli %mul3A_119, %mul3A_164 : i32
        %lt3A_166 = arith.constant 78 : i32
        %lt3A_167 = arith.cmpi slt, %add3A_154, %lt3A_166 : i32
        %convert_element_type3A_168 = arith.extui %lt3A_167 : i1 to i32
        %cond3A_169 = arith.constant 0 : i32
        %cond3A_170 = arith.cmpi ne, %convert_element_type3A_168, %cond3A_169 : i32
        scf.if %cond3A_170 {
          "tpu.region"() ({
            %run_scoped3A = tpu.sem_alloc : memref<!tpu.dma_semaphore, #tpu.memory_space<semaphore_mem>>
            %dma_start3A_175 = tpu.memref_slice %arg6[%mul3A_158, %mul3A_165] : memref<10000x256xf32, #tpu.memory_space<hbm>> -> memref<128x64xf32, #tpu.memory_space<hbm>>
            %dma_start3A_176 = tpu.memref_slice %arg6[%mul3A_158, %mul3A_165] : memref<10000x256xf32, #tpu.memory_space<hbm>> -> memref<128x64xf32, #tpu.memory_space<hbm>>
            tpu.enqueue_dma source(%arg13 : memref<128x64xf32, #tpu.memory_space<vmem>>) target(%dma_start3A_176 : memref<128x64xf32, #tpu.memory_space<hbm>>) target_semaphore(%run_scoped3A : memref<!tpu.dma_semaphore, #tpu.memory_space<semaphore_mem>>)
            %dma_wait3A_177 = tpu.memref_slice %arg6[%mul3A_158, %mul3A_165] : memref<10000x256xf32, #tpu.memory_space<hbm>> -> memref<128x64xf32, #tpu.memory_space<hbm>>
            %dma_wait3A_178 = tpu.memref_slice %arg6[%mul3A_158, %mul3A_165] : memref<10000x256xf32, #tpu.memory_space<hbm>> -> memref<128x64xf32, #tpu.memory_space<hbm>>
            tpu.wait_dma2 semaphore(%run_scoped3A : memref<!tpu.dma_semaphore, #tpu.memory_space<semaphore_mem>>) src(%arg13 : memref<128x64xf32, #tpu.memory_space<vmem>>) dst(%dma_wait3A_178 : memref<128x64xf32, #tpu.memory_space<hbm>>)
            tpu.yield
          }) : () -> ()
        } else {
        }
        %eq3A = arith.constant 78 : i32
        %eq3A_171 = arith.cmpi eq, %add3A_154, %eq3A : i32
        %convert_element_type3A_172 = arith.extui %eq3A_171 : i1 to i32
        %cond3A_173 = arith.constant 0 : i32
        %cond3A_174 = arith.cmpi ne, %convert_element_type3A_172, %cond3A_173 : i32
        scf.if %cond3A_174 {
          "tpu.region"() ({
            %run_scoped3A = tpu.sem_alloc : memref<!tpu.dma_semaphore, #tpu.memory_space<semaphore_mem>>
            %dma_start3A_175 = arith.constant 0 : i32
            %dma_start3A_176 = arith.constant 0 : i32
            %dma_start3A_177 = tpu.memref_slice %arg13[%dma_start3A_175, %dma_start3A_176] : memref<128x64xf32, #tpu.memory_space<vmem>> -> memref<16x64xf32, #tpu.memory_space<vmem>>
            %dma_start3A_178 = tpu.memref_slice %arg6[%mul3A_158, %mul3A_165] : memref<10000x256xf32, #tpu.memory_space<hbm>> -> memref<16x64xf32, #tpu.memory_space<hbm>>
            %dma_start3A_179 = tpu.memref_slice %arg6[%mul3A_158, %mul3A_165] : memref<10000x256xf32, #tpu.memory_space<hbm>> -> memref<16x64xf32, #tpu.memory_space<hbm>>
            %dma_start3A_180 = arith.constant 0 : i32
            %dma_start3A_181 = arith.constant 0 : i32
            %dma_start3A_182 = tpu.memref_slice %arg13[%dma_start3A_180, %dma_start3A_181] : memref<128x64xf32, #tpu.memory_space<vmem>> -> memref<16x64xf32, #tpu.memory_space<vmem>>
            tpu.enqueue_dma source(%dma_start3A_182 : memref<16x64xf32, #tpu.memory_space<vmem>>) target(%dma_start3A_179 : memref<16x64xf32, #tpu.memory_space<hbm>>) target_semaphore(%run_scoped3A : memref<!tpu.dma_semaphore, #tpu.memory_space<semaphore_mem>>)
            %dma_wait3A_183 = arith.constant 0 : i32
            %dma_wait3A_184 = arith.constant 0 : i32
            %dma_wait3A_185 = tpu.memref_slice %arg13[%dma_wait3A_183, %dma_wait3A_184] : memref<128x64xf32, #tpu.memory_space<vmem>> -> memref<16x64xf32, #tpu.memory_space<vmem>>
            %dma_wait3A_186 = tpu.memref_slice %arg6[%mul3A_158, %mul3A_165] : memref<10000x256xf32, #tpu.memory_space<hbm>> -> memref<16x64xf32, #tpu.memory_space<hbm>>
            %dma_wait3A_187 = tpu.memref_slice %arg6[%mul3A_158, %mul3A_165] : memref<10000x256xf32, #tpu.memory_space<hbm>> -> memref<16x64xf32, #tpu.memory_space<hbm>>
            %dma_wait3A_188 = arith.constant 0 : i32
            %dma_wait3A_189 = arith.constant 0 : i32
            %dma_wait3A_190 = tpu.memref_slice %arg13[%dma_wait3A_188, %dma_wait3A_189] : memref<128x64xf32, #tpu.memory_space<vmem>> -> memref<16x64xf32, #tpu.memory_space<vmem>>
            tpu.wait_dma2 semaphore(%run_scoped3A : memref<!tpu.dma_semaphore, #tpu.memory_space<semaphore_mem>>) src(%dma_wait3A_190 : memref<16x64xf32, #tpu.memory_space<vmem>>) dst(%dma_wait3A_187 : memref<16x64xf32, #tpu.memory_space<hbm>>)
            tpu.yield
          }) : () -> ()
        } else {
        }
      } else {
      }
    }
    %scan3A_124 = arith.constant 5 : i32
    %barrier3A_125 = arith.constant 0 : index
    tpu.barrier barrier_id(%barrier3A_125)
    %scan3A_126 = arith.constant 0 : i32
    %scan3A_127 = arith.constant 20 : i32
    %scan3A_128 = arith.addi %scan3A_126, %scan3A_127 : i32
    %scan3A_129 = arith.constant 1 : i32
    scf.for %scan3A_147 = %scan3A_126 to %scan3A_128 step %scan3A_129  : i32 {
      %mul3A_148 = arith.constant 1 : i32
      %mul3A_149 = arith.muli %scan3A_147, %mul3A_148 : i32
      %add3A_150 = arith.constant 0 : i32
      %add3A_151 = arith.addi %add3A_150, %mul3A_149 : i32
      %mul3A_152 = arith.constant 4 : i32
      %mul3A_153 = arith.muli %add3A_151, %mul3A_152 : i32
      %add3A_154 = arith.constant 0 : i32
      %add3A_155 = arith.addi %mul3A_153, %add3A_154 : i32
      %dma_wait3A_156 = arith.constant 0 : i32
      %dma_wait3A_157 = tpu.memref_slice %arg7[%add3A_155, %dma_wait3A_156] : memref<80x128xi32, #tpu.memory_space<vmem>> -> memref<1x128xi32, #tpu.memory_space<vmem>>
      %dma_wait3A_158 = tpu.memref_squeeze %dma_wait3A_157 : memref<1x128xi32, #tpu.memory_space<vmem>> -> memref<128xi32, #tpu.memory_space<vmem>>
      %dma_wait3A_159 = arith.constant 0 : i32
      %dma_wait3A_160 = arith.constant 0 : i32
      %dma_wait3A_161 = tpu.memref_slice %arg2[%dma_wait3A_159, %dma_wait3A_160] : memref<40000x64xf32, #tpu.memory_space<hbm>> -> memref<40000x64xf32, #tpu.memory_space<hbm>>
      tpu.wait_indirect_dma semaphore(%arg18 : memref<!tpu.dma_semaphore, #tpu.memory_space<semaphore_mem>>) src(%dma_wait3A_161 : memref<40000x64xf32, #tpu.memory_space<hbm>>) dst(%arg9 : memref<128x64xf32, #tpu.memory_space<vmem>>)
      %dma_start3A_162 = arith.constant 0 : i32
      %dma_start3A_163 = tpu.memref_slice %arg8[%add3A_155, %dma_start3A_162] : memref<80x128xi32, #tpu.memory_space<vmem>> -> memref<1x128xi32, #tpu.memory_space<vmem>>
      %dma_start3A_164 = tpu.memref_squeeze %dma_start3A_163 : memref<1x128xi32, #tpu.memory_space<vmem>> -> memref<128xi32, #tpu.memory_space<vmem>>
      %dma_start3A_165 = arith.constant 0 : i32
      %dma_start3A_166 = arith.constant 0 : i32
      %dma_start3A_167 = tpu.memref_slice %arg16[%dma_start3A_165, %dma_start3A_166] : memref<10112x64xf32, #tpu.memory_space<vmem_shared>> -> memref<10112x64xf32, #tpu.memory_space<vmem_shared>>
      tpu.enqueue_indirect_dma source(%arg9 : memref<128x64xf32, #tpu.memory_space<vmem>>) target(%dma_start3A_167 : memref<10112x64xf32, #tpu.memory_space<vmem_shared>>) offsets(%dma_start3A_164 : memref<128xi32, #tpu.memory_space<vmem>>) semaphore(%arg22 : memref<!tpu.dma_semaphore, #tpu.memory_space<semaphore_mem>>) {add = true}
      %sub3A = arith.constant 1 : i32
      %sub3A_168 = arith.subi %add3A_155, %sub3A : i32
      %max3A = arith.constant 0 : i32
      %max3A_169 = arith.maxsi %sub3A_168, %max3A : i32
      %sub3A_170 = arith.constant 1 : i32
      %sub3A_171 = arith.subi %add3A_155, %sub3A_170 : i32
      %add3A_172 = arith.constant 4 : i32
      %add3A_173 = arith.addi %sub3A_171, %add3A_172 : i32
      %min3A = arith.constant 79 : i32
      %min3A_174 = arith.minsi %add3A_173, %min3A : i32
      %gt3A = arith.constant 0 : i32
      %gt3A_175 = arith.cmpi sgt, %add3A_155, %gt3A : i32
      %convert_element_type3A = arith.extui %gt3A_175 : i1 to i32
      %cond3A = arith.constant 0 : i32
      %cond3A_176 = arith.cmpi ne, %convert_element_type3A, %cond3A : i32
      scf.if %cond3A_176 {
        %dma_wait3A_270 = arith.constant 0 : i32
        %dma_wait3A_271 = tpu.memref_slice %arg8[%max3A_169, %dma_wait3A_270] : memref<80x128xi32, #tpu.memory_space<vmem>> -> memref<1x128xi32, #tpu.memory_space<vmem>>
        %dma_wait3A_272 = tpu.memref_squeeze %dma_wait3A_271 : memref<1x128xi32, #tpu.memory_space<vmem>> -> memref<128xi32, #tpu.memory_space<vmem>>
        %dma_wait3A_273 = arith.constant 0 : i32
        %dma_wait3A_274 = arith.constant 0 : i32
        %dma_wait3A_275 = tpu.memref_slice %arg16[%dma_wait3A_273, %dma_wait3A_274] : memref<10112x64xf32, #tpu.memory_space<vmem_shared>> -> memref<10112x64xf32, #tpu.memory_space<vmem_shared>>
        tpu.wait_indirect_dma semaphore(%arg25 : memref<!tpu.dma_semaphore, #tpu.memory_space<semaphore_mem>>) src(%arg12 : memref<128x64xf32, #tpu.memory_space<vmem>>) dst(%dma_wait3A_275 : memref<10112x64xf32, #tpu.memory_space<vmem_shared>>)
        %sub3A_276 = arith.constant 1 : i32
        %sub3A_277 = arith.subi %add3A_155, %sub3A_276 : i32
        %add3A_278 = arith.constant 4 : i32
        %add3A_279 = arith.addi %sub3A_277, %add3A_278 : i32
        %lt3A = arith.constant 80 : i32
        %lt3A_280 = arith.cmpi slt, %add3A_279, %lt3A : i32
        %convert_element_type3A_281 = arith.extui %lt3A_280 : i1 to i32
        %cond3A_282 = arith.constant 0 : i32
        %cond3A_283 = arith.cmpi ne, %convert_element_type3A_281, %cond3A_282 : i32
        scf.if %cond3A_283 {
          %dma_start3A_284 = arith.constant 0 : i32
          %dma_start3A_285 = tpu.memref_slice %arg7[%min3A_174, %dma_start3A_284] : memref<80x128xi32, #tpu.memory_space<vmem>> -> memref<1x128xi32, #tpu.memory_space<vmem>>
          %dma_start3A_286 = tpu.memref_squeeze %dma_start3A_285 : memref<1x128xi32, #tpu.memory_space<vmem>> -> memref<128xi32, #tpu.memory_space<vmem>>
          %dma_start3A_287 = arith.constant 0 : i32
          %dma_start3A_288 = arith.constant 0 : i32
          %dma_start3A_289 = tpu.memref_slice %arg2[%dma_start3A_287, %dma_start3A_288] : memref<40000x64xf32, #tpu.memory_space<hbm>> -> memref<40000x64xf32, #tpu.memory_space<hbm>>
          tpu.enqueue_indirect_dma source(%dma_start3A_289 : memref<40000x64xf32, #tpu.memory_space<hbm>>) target(%arg12 : memref<128x64xf32, #tpu.memory_space<vmem>>) offsets(%dma_start3A_286 : memref<128xi32, #tpu.memory_space<vmem>>) semaphore(%arg21 : memref<!tpu.dma_semaphore, #tpu.memory_space<semaphore_mem>>)
        } else {
        }
      } else {
      }
      %mul3A_177 = arith.constant 4 : i32
      %mul3A_178 = arith.muli %add3A_151, %mul3A_177 : i32
      %add3A_179 = arith.constant 1 : i32
      %add3A_180 = arith.addi %mul3A_178, %add3A_179 : i32
      %dma_wait3A_181 = arith.constant 0 : i32
      %dma_wait3A_182 = tpu.memref_slice %arg7[%add3A_180, %dma_wait3A_181] : memref<80x128xi32, #tpu.memory_space<vmem>> -> memref<1x128xi32, #tpu.memory_space<vmem>>
      %dma_wait3A_183 = tpu.memref_squeeze %dma_wait3A_182 : memref<1x128xi32, #tpu.memory_space<vmem>> -> memref<128xi32, #tpu.memory_space<vmem>>
      %dma_wait3A_184 = arith.constant 0 : i32
      %dma_wait3A_185 = arith.constant 0 : i32
      %dma_wait3A_186 = tpu.memref_slice %arg2[%dma_wait3A_184, %dma_wait3A_185] : memref<40000x64xf32, #tpu.memory_space<hbm>> -> memref<40000x64xf32, #tpu.memory_space<hbm>>
      tpu.wait_indirect_dma semaphore(%arg19 : memref<!tpu.dma_semaphore, #tpu.memory_space<semaphore_mem>>) src(%dma_wait3A_186 : memref<40000x64xf32, #tpu.memory_space<hbm>>) dst(%arg10 : memref<128x64xf32, #tpu.memory_space<vmem>>)
      %dma_start3A_187 = arith.constant 0 : i32
      %dma_start3A_188 = tpu.memref_slice %arg8[%add3A_180, %dma_start3A_187] : memref<80x128xi32, #tpu.memory_space<vmem>> -> memref<1x128xi32, #tpu.memory_space<vmem>>
      %dma_start3A_189 = tpu.memref_squeeze %dma_start3A_188 : memref<1x128xi32, #tpu.memory_space<vmem>> -> memref<128xi32, #tpu.memory_space<vmem>>
      %dma_start3A_190 = arith.constant 0 : i32
      %dma_start3A_191 = arith.constant 0 : i32
      %dma_start3A_192 = tpu.memref_slice %arg16[%dma_start3A_190, %dma_start3A_191] : memref<10112x64xf32, #tpu.memory_space<vmem_shared>> -> memref<10112x64xf32, #tpu.memory_space<vmem_shared>>
      tpu.enqueue_indirect_dma source(%arg10 : memref<128x64xf32, #tpu.memory_space<vmem>>) target(%dma_start3A_192 : memref<10112x64xf32, #tpu.memory_space<vmem_shared>>) offsets(%dma_start3A_189 : memref<128xi32, #tpu.memory_space<vmem>>) semaphore(%arg23 : memref<!tpu.dma_semaphore, #tpu.memory_space<semaphore_mem>>) {add = true}
      %sub3A_193 = arith.constant 1 : i32
      %sub3A_194 = arith.subi %add3A_180, %sub3A_193 : i32
      %max3A_195 = arith.constant 0 : i32
      %max3A_196 = arith.maxsi %sub3A_194, %max3A_195 : i32
      %sub3A_197 = arith.constant 1 : i32
      %sub3A_198 = arith.subi %add3A_180, %sub3A_197 : i32
      %add3A_199 = arith.constant 4 : i32
      %add3A_200 = arith.addi %sub3A_198, %add3A_199 : i32
      %min3A_201 = arith.constant 79 : i32
      %min3A_202 = arith.minsi %add3A_200, %min3A_201 : i32
      %gt3A_203 = arith.constant 0 : i32
      %gt3A_204 = arith.cmpi sgt, %add3A_180, %gt3A_203 : i32
      %convert_element_type3A_205 = arith.extui %gt3A_204 : i1 to i32
      %cond3A_206 = arith.constant 0 : i32
      %cond3A_207 = arith.cmpi ne, %convert_element_type3A_205, %cond3A_206 : i32
      scf.if %cond3A_207 {
        %dma_wait3A_270 = arith.constant 0 : i32
        %dma_wait3A_271 = tpu.memref_slice %arg8[%max3A_196, %dma_wait3A_270] : memref<80x128xi32, #tpu.memory_space<vmem>> -> memref<1x128xi32, #tpu.memory_space<vmem>>
        %dma_wait3A_272 = tpu.memref_squeeze %dma_wait3A_271 : memref<1x128xi32, #tpu.memory_space<vmem>> -> memref<128xi32, #tpu.memory_space<vmem>>
        %dma_wait3A_273 = arith.constant 0 : i32
        %dma_wait3A_274 = arith.constant 0 : i32
        %dma_wait3A_275 = tpu.memref_slice %arg16[%dma_wait3A_273, %dma_wait3A_274] : memref<10112x64xf32, #tpu.memory_space<vmem_shared>> -> memref<10112x64xf32, #tpu.memory_space<vmem_shared>>
        tpu.wait_indirect_dma semaphore(%arg22 : memref<!tpu.dma_semaphore, #tpu.memory_space<semaphore_mem>>) src(%arg9 : memref<128x64xf32, #tpu.memory_space<vmem>>) dst(%dma_wait3A_275 : memref<10112x64xf32, #tpu.memory_space<vmem_shared>>)
        %sub3A_276 = arith.constant 1 : i32
        %sub3A_277 = arith.subi %add3A_180, %sub3A_276 : i32
        %add3A_278 = arith.constant 4 : i32
        %add3A_279 = arith.addi %sub3A_277, %add3A_278 : i32
        %lt3A = arith.constant 80 : i32
        %lt3A_280 = arith.cmpi slt, %add3A_279, %lt3A : i32
        %convert_element_type3A_281 = arith.extui %lt3A_280 : i1 to i32
        %cond3A_282 = arith.constant 0 : i32
        %cond3A_283 = arith.cmpi ne, %convert_element_type3A_281, %cond3A_282 : i32
        scf.if %cond3A_283 {
          %dma_start3A_284 = arith.constant 0 : i32
          %dma_start3A_285 = tpu.memref_slice %arg7[%min3A_202, %dma_start3A_284] : memref<80x128xi32, #tpu.memory_space<vmem>> -> memref<1x128xi32, #tpu.memory_space<vmem>>
          %dma_start3A_286 = tpu.memref_squeeze %dma_start3A_285 : memref<1x128xi32, #tpu.memory_space<vmem>> -> memref<128xi32, #tpu.memory_space<vmem>>
          %dma_start3A_287 = arith.constant 0 : i32
          %dma_start3A_288 = arith.constant 0 : i32
          %dma_start3A_289 = tpu.memref_slice %arg2[%dma_start3A_287, %dma_start3A_288] : memref<40000x64xf32, #tpu.memory_space<hbm>> -> memref<40000x64xf32, #tpu.memory_space<hbm>>
          tpu.enqueue_indirect_dma source(%dma_start3A_289 : memref<40000x64xf32, #tpu.memory_space<hbm>>) target(%arg9 : memref<128x64xf32, #tpu.memory_space<vmem>>) offsets(%dma_start3A_286 : memref<128xi32, #tpu.memory_space<vmem>>) semaphore(%arg18 : memref<!tpu.dma_semaphore, #tpu.memory_space<semaphore_mem>>)
        } else {
        }
      } else {
      }
      %mul3A_208 = arith.constant 4 : i32
      %mul3A_209 = arith.muli %add3A_151, %mul3A_208 : i32
      %add3A_210 = arith.constant 2 : i32
      %add3A_211 = arith.addi %mul3A_209, %add3A_210 : i32
      %dma_wait3A_212 = arith.constant 0 : i32
      %dma_wait3A_213 = tpu.memref_slice %arg7[%add3A_211, %dma_wait3A_212] : memref<80x128xi32, #tpu.memory_space<vmem>> -> memref<1x128xi32, #tpu.memory_space<vmem>>
      %dma_wait3A_214 = tpu.memref_squeeze %dma_wait3A_213 : memref<1x128xi32, #tpu.memory_space<vmem>> -> memref<128xi32, #tpu.memory_space<vmem>>
      %dma_wait3A_215 = arith.constant 0 : i32
      %dma_wait3A_216 = arith.constant 0 : i32
      %dma_wait3A_217 = tpu.memref_slice %arg2[%dma_wait3A_215, %dma_wait3A_216] : memref<40000x64xf32, #tpu.memory_space<hbm>> -> memref<40000x64xf32, #tpu.memory_space<hbm>>
      tpu.wait_indirect_dma semaphore(%arg20 : memref<!tpu.dma_semaphore, #tpu.memory_space<semaphore_mem>>) src(%dma_wait3A_217 : memref<40000x64xf32, #tpu.memory_space<hbm>>) dst(%arg11 : memref<128x64xf32, #tpu.memory_space<vmem>>)
      %dma_start3A_218 = arith.constant 0 : i32
      %dma_start3A_219 = tpu.memref_slice %arg8[%add3A_211, %dma_start3A_218] : memref<80x128xi32, #tpu.memory_space<vmem>> -> memref<1x128xi32, #tpu.memory_space<vmem>>
      %dma_start3A_220 = tpu.memref_squeeze %dma_start3A_219 : memref<1x128xi32, #tpu.memory_space<vmem>> -> memref<128xi32, #tpu.memory_space<vmem>>
      %dma_start3A_221 = arith.constant 0 : i32
      %dma_start3A_222 = arith.constant 0 : i32
      %dma_start3A_223 = tpu.memref_slice %arg16[%dma_start3A_221, %dma_start3A_222] : memref<10112x64xf32, #tpu.memory_space<vmem_shared>> -> memref<10112x64xf32, #tpu.memory_space<vmem_shared>>
      tpu.enqueue_indirect_dma source(%arg11 : memref<128x64xf32, #tpu.memory_space<vmem>>) target(%dma_start3A_223 : memref<10112x64xf32, #tpu.memory_space<vmem_shared>>) offsets(%dma_start3A_220 : memref<128xi32, #tpu.memory_space<vmem>>) semaphore(%arg24 : memref<!tpu.dma_semaphore, #tpu.memory_space<semaphore_mem>>) {add = true}
      %sub3A_224 = arith.constant 1 : i32
      %sub3A_225 = arith.subi %add3A_211, %sub3A_224 : i32
      %max3A_226 = arith.constant 0 : i32
      %max3A_227 = arith.maxsi %sub3A_225, %max3A_226 : i32
      %sub3A_228 = arith.constant 1 : i32
      %sub3A_229 = arith.subi %add3A_211, %sub3A_228 : i32
      %add3A_230 = arith.constant 4 : i32
      %add3A_231 = arith.addi %sub3A_229, %add3A_230 : i32
      %min3A_232 = arith.constant 79 : i32
      %min3A_233 = arith.minsi %add3A_231, %min3A_232 : i32
      %gt3A_234 = arith.constant 0 : i32
      %gt3A_235 = arith.cmpi sgt, %add3A_211, %gt3A_234 : i32
      %convert_element_type3A_236 = arith.extui %gt3A_235 : i1 to i32
      %cond3A_237 = arith.constant 0 : i32
      %cond3A_238 = arith.cmpi ne, %convert_element_type3A_236, %cond3A_237 : i32
      scf.if %cond3A_238 {
        %dma_wait3A_270 = arith.constant 0 : i32
        %dma_wait3A_271 = tpu.memref_slice %arg8[%max3A_227, %dma_wait3A_270] : memref<80x128xi32, #tpu.memory_space<vmem>> -> memref<1x128xi32, #tpu.memory_space<vmem>>
        %dma_wait3A_272 = tpu.memref_squeeze %dma_wait3A_271 : memref<1x128xi32, #tpu.memory_space<vmem>> -> memref<128xi32, #tpu.memory_space<vmem>>
        %dma_wait3A_273 = arith.constant 0 : i32
        %dma_wait3A_274 = arith.constant 0 : i32
        %dma_wait3A_275 = tpu.memref_slice %arg16[%dma_wait3A_273, %dma_wait3A_274] : memref<10112x64xf32, #tpu.memory_space<vmem_shared>> -> memref<10112x64xf32, #tpu.memory_space<vmem_shared>>
        tpu.wait_indirect_dma semaphore(%arg23 : memref<!tpu.dma_semaphore, #tpu.memory_space<semaphore_mem>>) src(%arg10 : memref<128x64xf32, #tpu.memory_space<vmem>>) dst(%dma_wait3A_275 : memref<10112x64xf32, #tpu.memory_space<vmem_shared>>)
        %sub3A_276 = arith.constant 1 : i32
        %sub3A_277 = arith.subi %add3A_211, %sub3A_276 : i32
        %add3A_278 = arith.constant 4 : i32
        %add3A_279 = arith.addi %sub3A_277, %add3A_278 : i32
        %lt3A = arith.constant 80 : i32
        %lt3A_280 = arith.cmpi slt, %add3A_279, %lt3A : i32
        %convert_element_type3A_281 = arith.extui %lt3A_280 : i1 to i32
        %cond3A_282 = arith.constant 0 : i32
        %cond3A_283 = arith.cmpi ne, %convert_element_type3A_281, %cond3A_282 : i32
        scf.if %cond3A_283 {
          %dma_start3A_284 = arith.constant 0 : i32
          %dma_start3A_285 = tpu.memref_slice %arg7[%min3A_233, %dma_start3A_284] : memref<80x128xi32, #tpu.memory_space<vmem>> -> memref<1x128xi32, #tpu.memory_space<vmem>>
          %dma_start3A_286 = tpu.memref_squeeze %dma_start3A_285 : memref<1x128xi32, #tpu.memory_space<vmem>> -> memref<128xi32, #tpu.memory_space<vmem>>
          %dma_start3A_287 = arith.constant 0 : i32
          %dma_start3A_288 = arith.constant 0 : i32
          %dma_start3A_289 = tpu.memref_slice %arg2[%dma_start3A_287, %dma_start3A_288] : memref<40000x64xf32, #tpu.memory_space<hbm>> -> memref<40000x64xf32, #tpu.memory_space<hbm>>
          tpu.enqueue_indirect_dma source(%dma_start3A_289 : memref<40000x64xf32, #tpu.memory_space<hbm>>) target(%arg10 : memref<128x64xf32, #tpu.memory_space<vmem>>) offsets(%dma_start3A_286 : memref<128xi32, #tpu.memory_space<vmem>>) semaphore(%arg19 : memref<!tpu.dma_semaphore, #tpu.memory_space<semaphore_mem>>)
        } else {
        }
      } else {
      }
      %mul3A_239 = arith.constant 4 : i32
      %mul3A_240 = arith.muli %add3A_151, %mul3A_239 : i32
      %add3A_241 = arith.constant 3 : i32
      %add3A_242 = arith.addi %mul3A_240, %add3A_241 : i32
      %dma_wait3A_243 = arith.constant 0 : i32
      %dma_wait3A_244 = tpu.memref_slice %arg7[%add3A_242, %dma_wait3A_243] : memref<80x128xi32, #tpu.memory_space<vmem>> -> memref<1x128xi32, #tpu.memory_space<vmem>>
      %dma_wait3A_245 = tpu.memref_squeeze %dma_wait3A_244 : memref<1x128xi32, #tpu.memory_space<vmem>> -> memref<128xi32, #tpu.memory_space<vmem>>
      %dma_wait3A_246 = arith.constant 0 : i32
      %dma_wait3A_247 = arith.constant 0 : i32
      %dma_wait3A_248 = tpu.memref_slice %arg2[%dma_wait3A_246, %dma_wait3A_247] : memref<40000x64xf32, #tpu.memory_space<hbm>> -> memref<40000x64xf32, #tpu.memory_space<hbm>>
      tpu.wait_indirect_dma semaphore(%arg21 : memref<!tpu.dma_semaphore, #tpu.memory_space<semaphore_mem>>) src(%dma_wait3A_248 : memref<40000x64xf32, #tpu.memory_space<hbm>>) dst(%arg12 : memref<128x64xf32, #tpu.memory_space<vmem>>)
      %dma_start3A_249 = arith.constant 0 : i32
      %dma_start3A_250 = tpu.memref_slice %arg8[%add3A_242, %dma_start3A_249] : memref<80x128xi32, #tpu.memory_space<vmem>> -> memref<1x128xi32, #tpu.memory_space<vmem>>
      %dma_start3A_251 = tpu.memref_squeeze %dma_start3A_250 : memref<1x128xi32, #tpu.memory_space<vmem>> -> memref<128xi32, #tpu.memory_space<vmem>>
      %dma_start3A_252 = arith.constant 0 : i32
      %dma_start3A_253 = arith.constant 0 : i32
      %dma_start3A_254 = tpu.memref_slice %arg16[%dma_start3A_252, %dma_start3A_253] : memref<10112x64xf32, #tpu.memory_space<vmem_shared>> -> memref<10112x64xf32, #tpu.memory_space<vmem_shared>>
      tpu.enqueue_indirect_dma source(%arg12 : memref<128x64xf32, #tpu.memory_space<vmem>>) target(%dma_start3A_254 : memref<10112x64xf32, #tpu.memory_space<vmem_shared>>) offsets(%dma_start3A_251 : memref<128xi32, #tpu.memory_space<vmem>>) semaphore(%arg25 : memref<!tpu.dma_semaphore, #tpu.memory_space<semaphore_mem>>) {add = true}
      %sub3A_255 = arith.constant 1 : i32
      %sub3A_256 = arith.subi %add3A_242, %sub3A_255 : i32
      %max3A_257 = arith.constant 0 : i32
      %max3A_258 = arith.maxsi %sub3A_256, %max3A_257 : i32
      %sub3A_259 = arith.constant 1 : i32
      %sub3A_260 = arith.subi %add3A_242, %sub3A_259 : i32
      %add3A_261 = arith.constant 4 : i32
      %add3A_262 = arith.addi %sub3A_260, %add3A_261 : i32
      %min3A_263 = arith.constant 79 : i32
      %min3A_264 = arith.minsi %add3A_262, %min3A_263 : i32
      %gt3A_265 = arith.constant 0 : i32
      %gt3A_266 = arith.cmpi sgt, %add3A_242, %gt3A_265 : i32
      %convert_element_type3A_267 = arith.extui %gt3A_266 : i1 to i32
      %cond3A_268 = arith.constant 0 : i32
      %cond3A_269 = arith.cmpi ne, %convert_element_type3A_267, %cond3A_268 : i32
      scf.if %cond3A_269 {
        %dma_wait3A_270 = arith.constant 0 : i32
        %dma_wait3A_271 = tpu.memref_slice %arg8[%max3A_258, %dma_wait3A_270] : memref<80x128xi32, #tpu.memory_space<vmem>> -> memref<1x128xi32, #tpu.memory_space<vmem>>
        %dma_wait3A_272 = tpu.memref_squeeze %dma_wait3A_271 : memref<1x128xi32, #tpu.memory_space<vmem>> -> memref<128xi32, #tpu.memory_space<vmem>>
        %dma_wait3A_273 = arith.constant 0 : i32
        %dma_wait3A_274 = arith.constant 0 : i32
        %dma_wait3A_275 = tpu.memref_slice %arg16[%dma_wait3A_273, %dma_wait3A_274] : memref<10112x64xf32, #tpu.memory_space<vmem_shared>> -> memref<10112x64xf32, #tpu.memory_space<vmem_shared>>
        tpu.wait_indirect_dma semaphore(%arg24 : memref<!tpu.dma_semaphore, #tpu.memory_space<semaphore_mem>>) src(%arg11 : memref<128x64xf32, #tpu.memory_space<vmem>>) dst(%dma_wait3A_275 : memref<10112x64xf32, #tpu.memory_space<vmem_shared>>)
        %sub3A_276 = arith.constant 1 : i32
        %sub3A_277 = arith.subi %add3A_242, %sub3A_276 : i32
        %add3A_278 = arith.constant 4 : i32
        %add3A_279 = arith.addi %sub3A_277, %add3A_278 : i32
        %lt3A = arith.constant 80 : i32
        %lt3A_280 = arith.cmpi slt, %add3A_279, %lt3A : i32
        %convert_element_type3A_281 = arith.extui %lt3A_280 : i1 to i32
        %cond3A_282 = arith.constant 0 : i32
        %cond3A_283 = arith.cmpi ne, %convert_element_type3A_281, %cond3A_282 : i32
        scf.if %cond3A_283 {
          %dma_start3A_284 = arith.constant 0 : i32
          %dma_start3A_285 = tpu.memref_slice %arg7[%min3A_264, %dma_start3A_284] : memref<80x128xi32, #tpu.memory_space<vmem>> -> memref<1x128xi32, #tpu.memory_space<vmem>>
          %dma_start3A_286 = tpu.memref_squeeze %dma_start3A_285 : memref<1x128xi32, #tpu.memory_space<vmem>> -> memref<128xi32, #tpu.memory_space<vmem>>
          %dma_start3A_287 = arith.constant 0 : i32
          %dma_start3A_288 = arith.constant 0 : i32
          %dma_start3A_289 = tpu.memref_slice %arg2[%dma_start3A_287, %dma_start3A_288] : memref<40000x64xf32, #tpu.memory_space<hbm>> -> memref<40000x64xf32, #tpu.memory_space<hbm>>
          tpu.enqueue_indirect_dma source(%dma_start3A_289 : memref<40000x64xf32, #tpu.memory_space<hbm>>) target(%arg11 : memref<128x64xf32, #tpu.memory_space<vmem>>) offsets(%dma_start3A_286 : memref<128xi32, #tpu.memory_space<vmem>>) semaphore(%arg20 : memref<!tpu.dma_semaphore, #tpu.memory_space<semaphore_mem>>)
        } else {
        }
      } else {
      }
    }
    %scan3A_130 = arith.constant 20 : i32
    %dma_wait3A_131 = arith.constant 79 : i32
    %dma_wait3A_132 = arith.constant 0 : i32
    %dma_wait3A_133 = tpu.memref_slice %arg8[%dma_wait3A_131, %dma_wait3A_132] : memref<80x128xi32, #tpu.memory_space<vmem>> -> memref<1x128xi32, #tpu.memory_space<vmem>>
    %dma_wait3A_134 = tpu.memref_squeeze %dma_wait3A_133 : memref<1x128xi32, #tpu.memory_space<vmem>> -> memref<128xi32, #tpu.memory_space<vmem>>
    %dma_wait3A_135 = arith.constant 0 : i32
    %dma_wait3A_136 = arith.constant 0 : i32
    %dma_wait3A_137 = tpu.memref_slice %arg16[%dma_wait3A_135, %dma_wait3A_136] : memref<10112x64xf32, #tpu.memory_space<vmem_shared>> -> memref<10112x64xf32, #tpu.memory_space<vmem_shared>>
    tpu.wait_indirect_dma semaphore(%arg25 : memref<!tpu.dma_semaphore, #tpu.memory_space<semaphore_mem>>) src(%arg12 : memref<128x64xf32, #tpu.memory_space<vmem>>) dst(%dma_wait3A_137 : memref<10112x64xf32, #tpu.memory_space<vmem_shared>>)
    %barrier3A_138 = arith.constant 0 : index
    tpu.barrier barrier_id(%barrier3A_138)
    %mul3A_139 = arith.constant 2 : i32
    %mul3A_140 = arith.muli %mul3A_139, %arg0 : i32
    %add3A = arith.constant 1 : i32
    %add3A_141 = arith.addi %mul3A_140, %add3A : i32
    %scan3A_142 = arith.constant 0 : i32
    %scan3A_143 = arith.constant 5 : i32
    %scan3A_144 = arith.addi %scan3A_142, %scan3A_143 : i32
    %scan3A_145 = arith.constant 1 : i32
    scf.for %scan3A_147 = %scan3A_142 to %scan3A_144 step %scan3A_145  : i32 {
      %mul3A_148 = arith.constant 1 : i32
      %mul3A_149 = arith.muli %scan3A_147, %mul3A_148 : i32
      %add3A_150 = arith.constant 0 : i32
      %add3A_151 = arith.addi %add3A_150, %mul3A_149 : i32
      %mul3A_152 = arith.constant 16 : i32
      %mul3A_153 = arith.muli %add3A_151, %mul3A_152 : i32
      %add3A_154 = arith.addi %mul3A_153, %arg1 : i32
      %lt3A = arith.constant 79 : i32
      %lt3A_155 = arith.cmpi slt, %add3A_154, %lt3A : i32
      %convert_element_type3A = arith.extui %lt3A_155 : i1 to i32
      %cond3A = arith.constant 0 : i32
      %cond3A_156 = arith.cmpi ne, %convert_element_type3A, %cond3A : i32
      scf.if %cond3A_156 {
        %mul3A_157 = arith.constant 128 : i32
        %mul3A_158 = arith.muli %add3A_154, %mul3A_157 : i32
        "tpu.region"() ({
          %run_scoped3A = tpu.sem_alloc : memref<!tpu.dma_semaphore, #tpu.memory_space<semaphore_mem>>
          %dma_start3A_175 = arith.constant 0 : i32
          %dma_start3A_176 = tpu.memref_slice %arg16[%mul3A_158, %dma_start3A_175] : memref<10112x64xf32, #tpu.memory_space<vmem_shared>> -> memref<128x64xf32, #tpu.memory_space<vmem_shared>>
          %dma_start3A_177 = arith.constant 0 : i32
          %dma_start3A_178 = tpu.memref_slice %arg16[%mul3A_158, %dma_start3A_177] : memref<10112x64xf32, #tpu.memory_space<vmem_shared>> -> memref<128x64xf32, #tpu.memory_space<vmem_shared>>
          tpu.enqueue_dma source(%dma_start3A_178 : memref<128x64xf32, #tpu.memory_space<vmem_shared>>) target(%arg13 : memref<128x64xf32, #tpu.memory_space<vmem>>) target_semaphore(%run_scoped3A : memref<!tpu.dma_semaphore, #tpu.memory_space<semaphore_mem>>)
          %dma_wait3A_179 = arith.constant 0 : i32
          %dma_wait3A_180 = tpu.memref_slice %arg16[%mul3A_158, %dma_wait3A_179] : memref<10112x64xf32, #tpu.memory_space<vmem_shared>> -> memref<128x64xf32, #tpu.memory_space<vmem_shared>>
          %dma_wait3A_181 = arith.constant 0 : i32
          %dma_wait3A_182 = tpu.memref_slice %arg16[%mul3A_158, %dma_wait3A_181] : memref<10112x64xf32, #tpu.memory_space<vmem_shared>> -> memref<128x64xf32, #tpu.memory_space<vmem_shared>>
          tpu.wait_dma2 semaphore(%run_scoped3A : memref<!tpu.dma_semaphore, #tpu.memory_space<semaphore_mem>>) src(%dma_wait3A_182 : memref<128x64xf32, #tpu.memory_space<vmem_shared>>) dst(%arg13 : memref<128x64xf32, #tpu.memory_space<vmem>>)
          tpu.yield
        }) : () -> ()
        "tpu.region"() ({
          %run_scoped3A = tpu.sem_alloc : memref<!tpu.dma_semaphore, #tpu.memory_space<semaphore_mem>>
          %dma_start3A_175 = arith.constant 0 : i32
          %dma_start3A_176 = tpu.memref_slice %arg17[%mul3A_158, %dma_start3A_175] : memref<10112x16xf32, #tpu.memory_space<vmem_shared>> -> memref<128x16xf32, #tpu.memory_space<vmem_shared>>
          %dma_start3A_177 = arith.constant 0 : i32
          %dma_start3A_178 = tpu.memref_slice %arg17[%mul3A_158, %dma_start3A_177] : memref<10112x16xf32, #tpu.memory_space<vmem_shared>> -> memref<128x16xf32, #tpu.memory_space<vmem_shared>>
          tpu.enqueue_dma source(%dma_start3A_178 : memref<128x16xf32, #tpu.memory_space<vmem_shared>>) target(%arg15 : memref<128x16xf32, #tpu.memory_space<vmem>>) target_semaphore(%run_scoped3A : memref<!tpu.dma_semaphore, #tpu.memory_space<semaphore_mem>>)
          %dma_wait3A_179 = arith.constant 0 : i32
          %dma_wait3A_180 = tpu.memref_slice %arg17[%mul3A_158, %dma_wait3A_179] : memref<10112x16xf32, #tpu.memory_space<vmem_shared>> -> memref<128x16xf32, #tpu.memory_space<vmem_shared>>
          %dma_wait3A_181 = arith.constant 0 : i32
          %dma_wait3A_182 = tpu.memref_slice %arg17[%mul3A_158, %dma_wait3A_181] : memref<10112x16xf32, #tpu.memory_space<vmem_shared>> -> memref<128x16xf32, #tpu.memory_space<vmem_shared>>
          tpu.wait_dma2 semaphore(%run_scoped3A : memref<!tpu.dma_semaphore, #tpu.memory_space<semaphore_mem>>) src(%dma_wait3A_182 : memref<128x16xf32, #tpu.memory_space<vmem_shared>>) dst(%arg15 : memref<128x16xf32, #tpu.memory_space<vmem>>)
          tpu.yield
        }) : () -> ()
        %scan3A_159 = arith.constant 0 : i32
        %scan3A_160 = arith.constant 128 : i32
        %scan3A_161 = arith.addi %scan3A_159, %scan3A_160 : i32
        %scan3A_162 = arith.constant 1 : i32
        scf.for %scan3A_175 = %scan3A_159 to %scan3A_161 step %scan3A_162  : i32 {
          %mul3A_176 = arith.constant 1 : i32
          %mul3A_177 = arith.muli %scan3A_175, %mul3A_176 : i32
          %add3A_178 = arith.constant 0 : i32
          %add3A_179 = arith.addi %add3A_178, %mul3A_177 : i32
          %get3A = arith.index_cast %add3A_179 : i32 to index
          %get3A_180 = arith.constant 0 : index
          %get3A_181 = tpu.vector_load %arg15[%get3A, %get3A_180] {strides = array<i32>} : memref<128x16xf32, #tpu.memory_space<vmem>>, vector<1x16xf32>,
          %get3A_182 = vector.shape_cast %get3A_181 : vector<1x16xf32> to vector<16xf32>
          %max3A = arith.constant 1.000000e+00 : f32
          %max3A_183 = vector.broadcast %max3A : f32 to vector<16xf32>
          %max3A_184 = arith.maximumf %get3A_182, %max3A_183 : vector<16xf32>
          %div3A = arith.constant 1.000000e+00 : f32
          %div3A_185 = vector.broadcast %div3A : f32 to vector<16xf32>
          %div3A_186 = arith.divf %div3A_185, %max3A_184 : vector<16xf32>
          %get3A_187 = arith.index_cast %add3A_179 : i32 to index
          %get3A_188 = arith.constant 0 : index
          %get3A_189 = tpu.vector_load %arg13[%get3A_187, %get3A_188] {strides = array<i32>} : memref<128x64xf32, #tpu.memory_space<vmem>>, vector<1x16xf32>,
          %get3A_190 = vector.shape_cast %get3A_189 : vector<1x16xf32> to vector<16xf32>
          %mul3A_191 = arith.mulf %get3A_190, %div3A_186 : vector<16xf32>
          %swap3A = arith.index_cast %add3A_179 : i32 to index
          %swap3A_192 = arith.constant 0 : index
          %swap3A_193 = tpu.vector_load %arg13[%swap3A, %swap3A_192] {strides = array<i32>} : memref<128x64xf32, #tpu.memory_space<vmem>>, vector<1x16xf32>,
          %swap3A_194 = vector.shape_cast %swap3A_193 : vector<1x16xf32> to vector<16xf32>
          %swap3A_195 = vector.shape_cast %mul3A_191 : vector<16xf32> to vector<1x16xf32>
          tpu.vector_store %arg13[%swap3A, %swap3A_192], %swap3A_195 {strides = array<i32>} : memref<128x64xf32, #tpu.memory_space<vmem>>, vector<1x16xf32>,
          %get3A_196 = arith.index_cast %add3A_179 : i32 to index
          %get3A_197 = arith.constant 16 : index
          %get3A_198 = tpu.vector_load %arg13[%get3A_196, %get3A_197] {strides = array<i32>} : memref<128x64xf32, #tpu.memory_space<vmem>>, vector<1x16xf32>,
          %get3A_199 = vector.shape_cast %get3A_198 : vector<1x16xf32> to vector<16xf32>
          %mul3A_200 = arith.mulf %get3A_199, %div3A_186 : vector<16xf32>
          %swap3A_201 = arith.index_cast %add3A_179 : i32 to index
          %swap3A_202 = arith.constant 16 : index
          %swap3A_203 = tpu.vector_load %arg13[%swap3A_201, %swap3A_202] {strides = array<i32>} : memref<128x64xf32, #tpu.memory_space<vmem>>, vector<1x16xf32>,
          %swap3A_204 = vector.shape_cast %swap3A_203 : vector<1x16xf32> to vector<16xf32>
          %swap3A_205 = vector.shape_cast %mul3A_200 : vector<16xf32> to vector<1x16xf32>
          tpu.vector_store %arg13[%swap3A_201, %swap3A_202], %swap3A_205 {strides = array<i32>} : memref<128x64xf32, #tpu.memory_space<vmem>>, vector<1x16xf32>,
          %get3A_206 = arith.index_cast %add3A_179 : i32 to index
          %get3A_207 = arith.constant 32 : index
          %get3A_208 = tpu.vector_load %arg13[%get3A_206, %get3A_207] {strides = array<i32>} : memref<128x64xf32, #tpu.memory_space<vmem>>, vector<1x16xf32>,
          %get3A_209 = vector.shape_cast %get3A_208 : vector<1x16xf32> to vector<16xf32>
          %mul3A_210 = arith.mulf %get3A_209, %div3A_186 : vector<16xf32>
          %swap3A_211 = arith.index_cast %add3A_179 : i32 to index
          %swap3A_212 = arith.constant 32 : index
          %swap3A_213 = tpu.vector_load %arg13[%swap3A_211, %swap3A_212] {strides = array<i32>} : memref<128x64xf32, #tpu.memory_space<vmem>>, vector<1x16xf32>,
          %swap3A_214 = vector.shape_cast %swap3A_213 : vector<1x16xf32> to vector<16xf32>
          %swap3A_215 = vector.shape_cast %mul3A_210 : vector<16xf32> to vector<1x16xf32>
          tpu.vector_store %arg13[%swap3A_211, %swap3A_212], %swap3A_215 {strides = array<i32>} : memref<128x64xf32, #tpu.memory_space<vmem>>, vector<1x16xf32>,
          %get3A_216 = arith.index_cast %add3A_179 : i32 to index
          %get3A_217 = arith.constant 48 : index
          %get3A_218 = tpu.vector_load %arg13[%get3A_216, %get3A_217] {strides = array<i32>} : memref<128x64xf32, #tpu.memory_space<vmem>>, vector<1x16xf32>,
          %get3A_219 = vector.shape_cast %get3A_218 : vector<1x16xf32> to vector<16xf32>
          %mul3A_220 = arith.mulf %get3A_219, %div3A_186 : vector<16xf32>
          %swap3A_221 = arith.index_cast %add3A_179 : i32 to index
          %swap3A_222 = arith.constant 48 : index
          %swap3A_223 = tpu.vector_load %arg13[%swap3A_221, %swap3A_222] {strides = array<i32>} : memref<128x64xf32, #tpu.memory_space<vmem>>, vector<1x16xf32>,
          %swap3A_224 = vector.shape_cast %swap3A_223 : vector<1x16xf32> to vector<16xf32>
          %swap3A_225 = vector.shape_cast %mul3A_220 : vector<16xf32> to vector<1x16xf32>
          tpu.vector_store %arg13[%swap3A_221, %swap3A_222], %swap3A_225 {strides = array<i32>} : memref<128x64xf32, #tpu.memory_space<vmem>>, vector<1x16xf32>,
        }
        %scan3A_163 = arith.constant 128 : i32
        %mul3A_164 = arith.constant 64 : i32
        %mul3A_165 = arith.muli %add3A_141, %mul3A_164 : i32
        %lt3A_166 = arith.constant 78 : i32
        %lt3A_167 = arith.cmpi slt, %add3A_154, %lt3A_166 : i32
        %convert_element_type3A_168 = arith.extui %lt3A_167 : i1 to i32
        %cond3A_169 = arith.constant 0 : i32
        %cond3A_170 = arith.cmpi ne, %convert_element_type3A_168, %cond3A_169 : i32
        scf.if %cond3A_170 {
          "tpu.region"() ({
            %run_scoped3A = tpu.sem_alloc : memref<!tpu.dma_semaphore, #tpu.memory_space<semaphore_mem>>
            %dma_start3A_175 = tpu.memref_slice %arg6[%mul3A_158, %mul3A_165] : memref<10000x256xf32, #tpu.memory_space<hbm>> -> memref<128x64xf32, #tpu.memory_space<hbm>>
            %dma_start3A_176 = tpu.memref_slice %arg6[%mul3A_158, %mul3A_165] : memref<10000x256xf32, #tpu.memory_space<hbm>> -> memref<128x64xf32, #tpu.memory_space<hbm>>
            tpu.enqueue_dma source(%arg13 : memref<128x64xf32, #tpu.memory_space<vmem>>) target(%dma_start3A_176 : memref<128x64xf32, #tpu.memory_space<hbm>>) target_semaphore(%run_scoped3A : memref<!tpu.dma_semaphore, #tpu.memory_space<semaphore_mem>>)
            %dma_wait3A_177 = tpu.memref_slice %arg6[%mul3A_158, %mul3A_165] : memref<10000x256xf32, #tpu.memory_space<hbm>> -> memref<128x64xf32, #tpu.memory_space<hbm>>
            %dma_wait3A_178 = tpu.memref_slice %arg6[%mul3A_158, %mul3A_165] : memref<10000x256xf32, #tpu.memory_space<hbm>> -> memref<128x64xf32, #tpu.memory_space<hbm>>
            tpu.wait_dma2 semaphore(%run_scoped3A : memref<!tpu.dma_semaphore, #tpu.memory_space<semaphore_mem>>) src(%arg13 : memref<128x64xf32, #tpu.memory_space<vmem>>) dst(%dma_wait3A_178 : memref<128x64xf32, #tpu.memory_space<hbm>>)
            tpu.yield
          }) : () -> ()
        } else {
        }
        %eq3A = arith.constant 78 : i32
        %eq3A_171 = arith.cmpi eq, %add3A_154, %eq3A : i32
        %convert_element_type3A_172 = arith.extui %eq3A_171 : i1 to i32
        %cond3A_173 = arith.constant 0 : i32
        %cond3A_174 = arith.cmpi ne, %convert_element_type3A_172, %cond3A_173 : i32
        scf.if %cond3A_174 {
          "tpu.region"() ({
            %run_scoped3A = tpu.sem_alloc : memref<!tpu.dma_semaphore, #tpu.memory_space<semaphore_mem>>
            %dma_start3A_175 = arith.constant 0 : i32
            %dma_start3A_176 = arith.constant 0 : i32
            %dma_start3A_177 = tpu.memref_slice %arg13[%dma_start3A_175, %dma_start3A_176] : memref<128x64xf32, #tpu.memory_space<vmem>> -> memref<16x64xf32, #tpu.memory_space<vmem>>
            %dma_start3A_178 = tpu.memref_slice %arg6[%mul3A_158, %mul3A_165] : memref<10000x256xf32, #tpu.memory_space<hbm>> -> memref<16x64xf32, #tpu.memory_space<hbm>>
            %dma_start3A_179 = tpu.memref_slice %arg6[%mul3A_158, %mul3A_165] : memref<10000x256xf32, #tpu.memory_space<hbm>> -> memref<16x64xf32, #tpu.memory_space<hbm>>
            %dma_start3A_180 = arith.constant 0 : i32
            %dma_start3A_181 = arith.constant 0 : i32
            %dma_start3A_182 = tpu.memref_slice %arg13[%dma_start3A_180, %dma_start3A_181] : memref<128x64xf32, #tpu.memory_space<vmem>> -> memref<16x64xf32, #tpu.memory_space<vmem>>
            tpu.enqueue_dma source(%dma_start3A_182 : memref<16x64xf32, #tpu.memory_space<vmem>>) target(%dma_start3A_179 : memref<16x64xf32, #tpu.memory_space<hbm>>) target_semaphore(%run_scoped3A : memref<!tpu.dma_semaphore, #tpu.memory_space<semaphore_mem>>)
            %dma_wait3A_183 = arith.constant 0 : i32
            %dma_wait3A_184 = arith.constant 0 : i32
            %dma_wait3A_185 = tpu.memref_slice %arg13[%dma_wait3A_183, %dma_wait3A_184] : memref<128x64xf32, #tpu.memory_space<vmem>> -> memref<16x64xf32, #tpu.memory_space<vmem>>
            %dma_wait3A_186 = tpu.memref_slice %arg6[%mul3A_158, %mul3A_165] : memref<10000x256xf32, #tpu.memory_space<hbm>> -> memref<16x64xf32, #tpu.memory_space<hbm>>
            %dma_wait3A_187 = tpu.memref_slice %arg6[%mul3A_158, %mul3A_165] : memref<10000x256xf32, #tpu.memory_space<hbm>> -> memref<16x64xf32, #tpu.memory_space<hbm>>
            %dma_wait3A_188 = arith.constant 0 : i32
            %dma_wait3A_189 = arith.constant 0 : i32
            %dma_wait3A_190 = tpu.memref_slice %arg13[%dma_wait3A_188, %dma_wait3A_189] : memref<128x64xf32, #tpu.memory_space<vmem>> -> memref<16x64xf32, #tpu.memory_space<vmem>>
            tpu.wait_dma2 semaphore(%run_scoped3A : memref<!tpu.dma_semaphore, #tpu.memory_space<semaphore_mem>>) src(%dma_wait3A_190 : memref<16x64xf32, #tpu.memory_space<vmem>>) dst(%dma_wait3A_187 : memref<16x64xf32, #tpu.memory_space<hbm>>)
            tpu.yield
          }) : () -> ()
        } else {
        }
      } else {
      }
    }
    %scan3A_146 = arith.constant 5 : i32
    return
  }
}

</mosaic_0001>

<sc_bundles>
// kernel: _sc_aggregate.3.cloned.1.call-start
scs
__scs_entry_jumppad:
0x0: {  	(pc) =	sbr.rel $0x88, $3  }
0x1: {  	(tag) =	ssettag $0x0;
	lr =	simm.s32 $0x1  }
0x2: {  	[smem:$0x3F9D] =	sst lr;
	_ =	strace $0xD0000000  }
0x3: {  	_ = 	snop  }
0x4: {  	_ = 	snop  }
0x5: {  	_ = 	snop  }
0x6: {  	_ = 	snop  }
0x7: {  	_ = 	snop  }
__scs_overlays_trampoline_lowered:
0x8: {  	[smem:$0x3FAC] =	sst s0  }
0x9: {  	[smem:$0x3FAD] =	sst s1  }
0xa: {  	[smem:$0x3FAE] =	sst s2  }
0xb: {  	[smem:$0x3FAF] =	sst s3  }
0xc: {  	[smem:$0x3FB0] =	sst s4  }
0xd: {  	[smem:$0x3FB1] =	sst s5  }
0xe: {  	[smem:$0x3FB2] =	sst s6  }
0xf: {  	[smem:$0x3FB3] =	sst s7  }
0x10: {  	[smem:$0x3FB4] =	sst s8  }
0x11: {  	[smem:$0x3FB5] =	sst s9;
	s0 =	simm.s32 @!p0 $0x0  }
0x12: {  	s1 =	sld [smem:$0x3F9B];
	s0 =	simm.s32 @p0 $0x1  }
0x13: {  	[smem:$0x3FB6] =	sst s0;
	s0 =	simm.s32 @!p1 $0x0  }
0x14: {  	s2 =	sld [smem:$0x3F9A];
	s0 =	simm.s32 @p1 $0x1  }
0x15: {  	[smem:$0x3FB7] =	sst s0;
	s0 =	simm.s32 @!p2 $0x0  }
0x16: {  	s3 =	sld [smem:$0x3FDB];
	s0 =	simm.s32 @p2 $0x1  }
0x17: {  	s4 =	simm.s32 $0x1BF5;
	[smem:$0x3FB9] =	sst s0  }
0x18: {  	s0 =	sld [smem:$0x3F9C];
	_ =	swait.ge [sflag:s4], $0x0  }
0x19: {  	s7 =	sld [smem:$0x3F9D]  }
0x1a: {  	s8 =	sadd.s32 $0xFFFFE003, lr  }
0x1b: {  	s9 =	sadd.s32 $0xFFFFFEF7, lr;
	s5 =	simm.s32 $0xFFFFFFFF;
	p2 =	slt.u32 s8, $0xFFFFF086  }
0x1c: {  	p1 =	slt.u32 s9, $0xF7A;
	s5 =	simm.s32 @!p2 $0x0  }
0x1d: {  	s5 =	simm.s32 @p1 $0x1;
	p0 =	seq.s32 s7, s2  }
0x1e: {  	s7 =	smul.u32 @!p0 $0xF7A, s2;
	p2 =	seq.s32 @!p0 s5, $0x0  }
0x1f: {  	s9 =	smul.u32 $0xF7A, s1;
	s8 =	simm.s32 @!p0 $0x1BF5;
	p2 =	por !p2, p0  }
0x20: {  	[sflag:s8] =	ssyncset.s32 @!p0 $0xFFFFF086;
	s6 =	sadd.s32 @!p0 s3, s7;
	s7 =	simm.s32 @!p0 $0x108  }
0x21: {  	s3 =	sadd.s32 s3, s9;
	s6 =	sadd.s32 @!p0 $0x88, s6;
	s7 =	simm.s32 @p2 $0x1082  }
0x22: {  	[simem:s7], [sflag:s8] =	dma.local @!p0 [hbm:s6], $0xF7A  }
0x23: {  	s9 =	sor.u32 $0xD0000000, s2;
	s6 =	simm.s32 $0x108;
	_ =	swait.ge @!p0 [sflag:s8], $0x0  }
0x24: {  	s3 =	sadd.s32 $0x88, s3;
	s6 =	simm.s32 @!p1 $0x1082;
	[sflag:s4] =	ssyncset.s32 $0xFFFFF086  }
0x25: {  	[simem:s6], [sflag:s4] =	dma.local [hbm:s3], $0xF7A  }
0x26: {  	[smem:$0x3F9D] =	sst s1;
	(tag) =	ssettag s2;
	_ =	strace s9  }
0x27: {  	s1 =	sld [smem:$0x3FAD]  }
0x28: {  	s2 =	sld [smem:$0x3FAE]  }
0x29: {  	s4 =	sld [smem:$0x3FB0]  }
0x2a: {  	p0 =	seq.s32 s5, $0x0;
	s5 =	sld [smem:$0x3FB1]  }
0x2b: {  	s6 =	sld [smem:$0x3FB2]  }
0x2c: {  	s7 =	sld [smem:$0x3FB3]  }
0x2d: {  	s3 =	simm.s32 $0x108;
	s8 =	sld [smem:$0x3FB4]  }
0x2e: {  	s3 =	simm.s32 @!p0 $0x1082;
	s9 =	sld [smem:$0x3FB5]  }
0x2f: {  	lr =	sadd.s32 s0, s3;
	s0 =	sld [smem:$0x3FAC]  }
0x30: {  	s3 =	sld [smem:$0x3FAF]  }
0x31: {  	[smem:$0x3FB8] =	sst s10  }
0x32: {  	s10 =	sld [smem:$0x3FB6];
	_ =	sdelay $0x3  }
0x33: {  	p0 =	seq.s32 s10, $0x1;
	s10 =	sld [smem:$0x3FB8];
	_ =	sdelay $0x3  }
0x34: {  	[smem:$0x3FB8] =	sst s10  }
0x35: {  	s10 =	sld [smem:$0x3FB7];
	_ =	sdelay $0x3  }
0x36: {  	p1 =	seq.s32 s10, $0x1;
	s10 =	sld [smem:$0x3FB8];
	_ =	sdelay $0x3  }
0x37: {  	[smem:$0x3FB8] =	sst s10  }
0x38: {  	s10 =	sld [smem:$0x3FB9]  }
0x39: {  	_ = 	snop;
	(pc) =	sbr.ind lr, $3  }
0x3a: {  	_ = 	snop  }
0x3b: {  	_ = 	snop  }
0x3c: {  	p2 =	seq.s32 s10, $0x1;
	s10 =	sld [smem:$0x3FB8]  }
0x3d: {  	_ =	shalt  }
0x3e: {  	_ =	shalt  }
0x3f: {  	_ =	shalt  }
0x40: {  	_ =	shalt  }
0x41: {  	_ =	shalt  }
0x42: {  	_ =	shalt  }
0x43: {  	_ =	shalt  }
0x44: {  	_ =	shalt  }
0x45: {  	_ =	shalt  }
0x46: {  	_ =	shalt  }
0x47: {  	_ =	shalt  }
0x48: {  	_ =	shalt  }
0x49: {  	_ =	shalt  }
0x4a: {  	_ =	shalt  }
0x4b: {  	_ =	shalt  }
0x4c: {  	_ =	shalt  }
0x4d: {  	_ =	shalt  }
0x4e: {  	_ =	shalt  }
0x4f: {  	_ =	shalt  }
0x50: {  	_ =	shalt  }
0x51: {  	_ =	shalt  }
0x52: {  	_ =	shalt  }
0x53: {  	_ =	shalt  }
0x54: {  	_ =	shalt  }
0x55: {  	_ =	shalt  }
0x56: {  	_ =	shalt  }
0x57: {  	_ =	shalt  }
0x58: {  	_ =	shalt  }
0x59: {  	_ =	shalt  }
0x5a: {  	_ =	shalt  }
0x5b: {  	_ =	shalt  }
0x5c: {  	_ =	shalt  }
0x5d: {  	_ =	shalt  }
0x5e: {  	_ =	shalt  }
0x5f: {  	_ =	shalt  }
0x60: {  	_ =	shalt  }
0x61: {  	_ =	shalt  }
0x62: {  	_ =	shalt  }
0x63: {  	_ =	shalt  }
0x64: {  	_ =	shalt  }
0x65: {  	_ =	shalt  }
0x66: {  	_ =	shalt  }
0x67: {  	_ =	shalt  }
0x68: {  	_ =	shalt  }
0x69: {  	_ =	shalt  }
0x6a: {  	_ =	shalt  }
0x6b: {  	_ =	shalt  }
0x6c: {  	_ =	shalt  }
0x6d: {  	_ =	shalt  }
0x6e: {  	_ =	shalt  }
0x6f: {  	_ =	shalt  }
0x70: {  	_ =	shalt  }
0x71: {  	_ =	shalt  }
0x72: {  	_ =	shalt  }
0x73: {  	_ =	shalt  }
0x74: {  	_ =	shalt  }
0x75: {  	_ =	shalt  }
0x76: {  	_ =	shalt  }
0x77: {  	_ =	shalt  }
0x78: {  	_ =	shalt  }
0x79: {  	_ =	shalt  }
0x7a: {  	_ =	shalt  }
0x7b: {  	_ =	shalt  }
0x7c: {  	_ =	shalt  }
0x7d: {  	_ =	shalt  }
0x7e: {  	_ =	shalt  }
0x7f: {  	_ =	shalt  }
0x80: {  	_ =	shalt  }
0x81: {  	_ =	shalt  }
0x82: {  	_ =	shalt  }
0x83: {  	_ =	shalt  }
0x84: {  	_ =	shalt  }
0x85: {  	_ =	shalt  }
0x86: {  	_ =	shalt  }
0x87: {  	_ =	shalt  }
.Lfunc_end0:
.L_simem_size_0:
called_computation_lowered:
.L_overlay_start_0:
0x88: {  	s2 =	sld [smem:$0x3FD9]  }
0x89: {  	s3 =	sld [smem:$0x3FFE];
	_ =	sdelay $0x1  }
0x8a: {  	s1 =	srdreg.scid  }
0x8b: {  	s0 =	sand.u32 $0x1, s1  }
0x8c: {  	s17 =	sshll.u32 s0, $0xA;
	s2 =	sadd.s32 s3, s2  }
0x8d: {  	s2 =	sadd.s32 s2, s17  }
0x8e: {  	[smem:$0x3FC4] =	sst s2  }
0x8f: {  	_ = 	snop  }
0x90: {  	s2 =	sld [smem:$0x3FC8]  }
0x91: {  	s18 =	sld [smem:$0x3FC7]  }
0x92: {  	s4 =	sld [smem:$0x3FD0];
	(tm) =	ssettm $0x1  }
0x93: {  	s5 =	sld [smem:$0x3FFB];
	_ =	sdelay $0x3  }
0x94: {  	_ =	strace s5  }
0x95: {  	s5 =	sld [smem:$0x3FFC];
	_ =	sdelay $0x3  }
0x96: {  	_ =	strace s5  }
0x97: {  	s5 =	sld [smem:$0x3FFD];
	_ =	sdelay $0x3  }
0x98: {  	_ =	strace s5  }
0x99: {  	_ =	strace $0x8FFFFFFF  }
0x9a: {  	s19 =	sld [smem:$0x3FDB];
	_ =	sdelay $0x1  }
0x9b: {  	s6 =	simm.s32 $_scs_section_size  }
0x9c: {  	s7 =	simm.s32 $_size__tile_overlayer_lowered;
	s8 =	simm.s32 $_tile_overlayer_lowered  }
0x9d: {  	s22 =	simm.s32 $0x1BFF;
	s21 =	sshll.u32 s8, $0x1;
	s5 =	sadd.s32 s6, s19  }
0x9e: {  	s9 =	simm.s32 $0x0;
	s20 =	sshll.u32 s7, $0x1;
	s7 =	sadd.s32 s21, s5  }
0x9f: {  	[timem:s9], [sflag:s22] =	dma.local [hbm:s7], s20  }
0xa0: {  	_ =	swait.ge [sflag:s22], s20  }
0xa1: {  	s6 =	ssub.s32 $0x0, s20;
	[sflag:s22] =	ssyncset.done $0x0  }
0xa2: {  	[sflag:s22] =	ssyncadd.s32 s6;
	_ =	sdelay $0x1  }
0xa3: {  	s23 =	simm.s32 $0x1B8B  }
0xa4: {  	_ =	swait.ge [sflag:s23], $0x1  }
0xa5: {  	[sflag:s23] =	ssyncset.done $0x0  }
0xa6: {  	s25 =	simm.s32 $0x1B8E;
	s24 =	sld [smem:$0x3FFE];
	[sflag:s23] =	ssyncadd.s32 $0xFFFFFFFF  }
0xa7: {  	s26 =	simm.s32 $execute0_lowered;
	[smem:$0x3FD2] =	sst s25  }
0xa8: {  	s7 =	sshll.u32 s26, $0x1;
	_ =	strace $0x80000046;
	[dreg:$0x1] =	wrdreg $0xFFFFFFFF  }
0xa9: {  	s28 =	simm.s32 $_size_execute0_lowered;
	s5 =	sadd.s32 s5, s7;
	[dreg:$0x0] =	wrdreg $0x0  }
0xaa: {  	s7 =	sshll.u32 s28, $0x1;
	[dreg:$0x2] =	wrdreg s5  }
0xab: {  	[dreg:$0x3] =	wrdreg s7  }
0xac: {  	[dreg:$0x4] =	wrdreg $0xC0  }
0xad: {  	_ =	task [dreg:s9], $0x5FFFF  }
0xae: {  	[dreg:$0x1] =	wrdreg $0xFFFFFFFF  }
0xaf: {  	[dreg:$0x0] =	wrdreg $0x60  }
0xb0: {  	[dreg:$0x2] =	wrdreg s4  }
0xb1: {  	[dreg:$0x3] =	wrdreg s2  }
0xb2: {  	[dreg:$0x4] =	wrdreg s18  }
0xb3: {  	[dreg:$0x5] =	wrdreg s24  }
0xb4: {  	[dreg:$0x6] =	wrdreg $0x100000  }
0xb5: {  	[dreg:$0x7] =	wrdreg $0x19E000  }
0xb6: {  	[dreg:$0x8] =	wrdreg $0x9  }
0xb7: {  	_ =	task.clear_ibuf [dreg:s9], $0x9FFFF;
	_ =	strace $0x90000046  }
0xb8: {  	s29 =	simm.s32 $0x9;
	_ =	strace $0x80000048  }
0xb9: {  	_ =	swait.ge [sflag:s29], $0x1  }
0xba: {  	[sflag:s29] =	ssyncadd.s32 $0xFFFFFFFF  }
0xbb: {  	_ =	strace $0x90000048  }
0xbc: {  	_ =	sfence  }
0xbd: {  	s30 =	sld [smem:$0x0];
	_ =	sdelay $0x2  }
0xbe: {  	s31 =	sshll.u32 s1, $0xD;
	s1 =	sshrl.u32 s1, $0x2  }
0xbf: {  	s3 =	sand.u32 $0x4000, s31;
	s1 =	sadd.s32 s1, s30  }
0xc0: {  	s0 =	sor.u32 s3, s0;
	s1 =	sshll.u32 s1, $0x11  }
0xc1: {  	s0 =	sor.u32 s1, s0  }
0xc2: {  	s0 =	sadd.s32 $0x8F2B, s0  }
0xc3: {  	[sflag:s0] =	ssyncadd.remote.s32 $0x1  }
0xc4: {  	_ =	sfence.sel $0xFFFF  }
0xc5: {  	[dreg:$0x0] =	wrdreg $0xFFFFFFFF;
	(pc) =	sbr.abs _section_cstart, $3  }
0xc6: {  	[dreg:$0x1] =	wrdreg $0xFFFFFFFF  }
0xc7: {  	_ =	task.clear_ibuf [dreg:s9], $0x2FFFF;
	_ =	strace $0x9FFFFFFF  }
0xc8: {  	(tm) =	ssettm $0x7FFFFFFF  }
0xc9: {  	_ =	shalt  }
tec
execute0_lowered:
.L_overlay_start_1:
0x0: {  	(tag) =	ssettag $0x1  }
0x1: {  	s0 =	rddreg [dreg:$0x0]  }
0x2: {  	s1 =	rddreg [dreg:$0x1]  }
0x3: {  	s5 =	rddreg [dreg:$0x2]  }
0x4: {  	s7 =	rddreg [dreg:$0x3]  }
0x5: {  	s2 =	rddreg [dreg:$0x4]  }
0x6: {  	s3 =	rddreg [dreg:$0x5];
	s4 =	srdreg.scid  }
0x7: {  	s13 =	simm.s32 $0x0;
	s28 =	simm.s32 $0x80;
	s29 =	simm.s32 $0x5000  }
0x8: {  	s30 =	simm.s32 $0x7000;
	s31 =	simm.s32 $0x6;
	s8 =	sand.u32 $0x1, s4  }
0x9: {  	[smem:$0x7FF] =	sst s13;
	s4 =	stileid.u32;
	s6 =	sadd.s32 $0x600, s7  }
0xa: {  	s7 =	sadd.s32 $0xA00, s7;
	s9 =	ssub.s32 $0x2, s8;
	_ =	strace $0x80000047  }
0xb: {  	s11 =	smul.u32 $0x500, s4;
	s15 =	sshll.u32 s4, $0xD;
	s16 =	sshll.u32 s4, $0xB  }
0xc: {  	s17 =	sor.u32 $0x10, s4;
	s19 =	sor.u32 $0x20, s4;
	s21 =	sor.u32 $0x30, s4  }
0xd: {  	p0 =	seq.s32 s4, $0xF;
	s10 =	sshrl.u32 s9, $0x1;
	s18 =	sshll.u32 s17, $0xD  }
0xe: {  	s20 =	sshll.u32 s19, $0xD;
	s9 =	ssub.s32 s9, s10;
	s1 =	sadd.s32 s1, s11  }
0xf: {  	s10 =	sadd.s32 s5, s11;
	s11 =	sshll.u32 s8, $0x4;
	[dreg:$0x7] =	wrdreg s1  }
0x10: {  	s5 =	sshll.u32 s8, $0x1;
	s8 =	sshll.u32 s8, $0x7;
	[dreg:$0x8] =	wrdreg s10  }
0x11: {  	s22 =	sshll.u32 s21, $0xD;
	s1 =	sadd.s32 s11, s7;
	[dreg:$0x9] =	wrdreg s8  }
0x12: {  	s25 =	sor.u32 $0x40, s8;
	s14 =	smax.u32 s9, $0x1;
	s8 =	sadd.s32 s16, s3  }
0x13: {  	s9 =	sadd.s32 s18, s2;
	s10 =	sshll.u32 s19, $0xB;
	s11 =	sshll.u32 s21, $0xB  }
0x14: {  	s16 =	simm.s32 $0x1;
	s18 =	simm.s32 $0x5;
	[dreg:$0xd] =	wrdreg s14  }
0x15: {  	s19 =	simm.s32 $0x3;
	s21 =	simm.s32 $0x8;
	[dreg:$0xe] =	wrdreg s8  }
0x16: {  	s12 =	sadd.s32 $0x4E000, s1;
	s1 =	sadd.s32 $0x4E008, s1;
	[dreg:$0xb] =	wrdreg s25  }
0x17: {  	s8 =	sshll.u32 s17, $0xB;
	s10 =	sadd.s32 s10, s3;
	[dreg:$0xa] =	wrdreg s12  }
0x18: {  	s11 =	sadd.s32 s11, s3;
	s23 =	sshrl.u32 s9, $0x3;
	[dreg:$0xc] =	wrdreg s1  }
0x19: {  	s9 =	simm.s32 $0xB000;
	s17 =	simm.s32 $0x2;
	[dreg:$0x10] =	wrdreg s10  }
0x1a: {  	s1 =	sadd.s32 s15, s2;
	s8 =	sadd.s32 s8, s3;
	[dreg:$0x11] =	wrdreg s11  }
0x1b: {  	s12 =	sor.u32 $0x40, s4;
	s10 =	sadd.s32 s22, s2;
	[dreg:$0x14] =	wrdreg s23  }
0x1c: {  	s15 =	simm.s32 $0xF800;
	s22 =	simm.s32 $0xD000;
	[dreg:$0xf] =	wrdreg s8  }
0x1d: {  	s8 =	sadd.s32 s20, s2;
	s14 =	sshll.u32 s12, $0xD;
	s12 =	sshll.u32 s12, $0xB  }
0x1e: {  	s1 =	sshrl.u32 s1, $0x3;
	s26 =	sshrl.u32 s10, $0x3;
	s20 =	simm.s32 $0x4  }
.Ltmp0:
0x1f: {  	s10 =	simm.s32 $0x0;
	[dreg:$0x13] =	wrdreg s1;
	(pc) =	sbr.rel .LBB2_1-.Ltmp0, $4  }
0x20: {  	s11 =	sadd.s32 s14, s2;
	s12 =	sadd.s32 s12, s3;
	[dreg:$0x16] =	wrdreg s26  }
0x21: {  	s24 =	sshrl.u32 s8, $0x3;
	s14 =	simm.s32 $0xE;
	[dreg:$0x12] =	wrdreg s12  }
0x22: {  	s26 =	simm.s32 $0xF000;
	[dreg:$0x15] =	wrdreg s24;
	s1 =	sshrl.u32 @!p0 s11, $0x3  }
0x23: {  	v1 =	vimm.f32 $1.000000000e+00;
	v2 =	vimm.f32 $0.0e+00;
	v0 =	vmov s5;
	s8 =	simm.s32 $0x7;
	[dreg:$0x17] =	wrdreg s1;
	s1 =	simm.s32 $0x9000  }
.LBB2_25:
0x24: {  	s10 =	rddreg [dreg:$0x18]  }
0x25: {  	s5 =	rddreg [dreg:$0xd];
	s10 =	sadd.s32 $0x1, s10  }
0x26: {  	p1 =	sne.s32 s10, s5  }
.Ltmp1:
0x27: {  	_ = 	snop;
	(pc) =	sbr.rel @!p1 .LBB2_26-.Ltmp1, $2  }
0x28: {  	_ =	sdelay $0x2  }
0x29: {  	s13 =	simm.s32 $0x0  }
.LBB2_1:
0x2a: {  	[dreg:$0x18] =	wrdreg s10  }
0x2b: {  	s5 =	rddreg [dreg:$0x7];
	s24 =	simm.s32 $0xD  }
0x2c: {  	[tilespmem:s13], [sflag:$0xD] =	stream.linear.gather [hbm4b:s5+s13], $0x2800, $0x38;
	[tilespmem:$0x1C580] =	vst v63  }
0x2d: {  	_ =	swait.ge [sflag:s24], $0x2800  }
0x2e: {  	[sflag:s24] =	ssyncset.done $0x0  }
0x2f: {  	s11 =	simm.s32 $0x2800;
	s25 =	rddreg [dreg:$0x8];
	[sflag:s24] =	ssyncadd.s32 $0xFFFFD800  }
0x30: {  	[tilespmem:s11], [sflag:$0xD] =	stream.linear.gather [hbm4b:s25+s13], $0x2800, $0x38;
	[tilespmem:$0x1C580] =	vst v63  }
0x31: {  	_ =	swait.ge [sflag:s24], $0x2800  }
0x32: {  	[sflag:s24] =	ssyncset.done $0x0  }
0x33: {  	s5 =	simm.s32 $0x0;
	[sflag:s24] =	ssyncadd.s32 $0xFFFFD800  }
.LBB2_2:
0x34: {  	p1 =	sne.s32 s5, $0x1FC0  }
.Ltmp2:
0x35: {  	_ = 	snop;
	(pc) =	sbr.rel @p1 .LBB2_2-.Ltmp2, $4  }
0x36: {  	_ = 	snop  }
0x37: {  	s10 =	sshra.s32 s5, $0x2  }
0x38: {  	[tilespmem:s10+$0xF000] =	vst v1  }
0x39: {  	s5 =	sadd.s32 $0x40, s5;
	[tilespmem:s10+$0xF800] =	vst v2  }
0x3a: {  	s5 =	simm.s32 $0x0  }
0x3b: {  	v5 =	vld [tilespmem:s5+$0x0]  }
0x3c: {  	v7 =	vld [tilespmem:s5+$0x10]  }
0x3d: {  	v6 =	vld [tilespmem:s5+$0x20]  }
0x3e: {  	v4 =	vld [tilespmem:s5+$0x30]  }
0x3f: {  	v3 =	vld [tilespmem:s5+$0x40]  }
0x40: {  	v8 =	vadd.s32 v0, v5;
	v5 =	vld [tilespmem:s5+$0x50]  }
0x41: {  	s10 =	simm.s32 $0x200;
	[tilespmem:s5+$0x0] =	vst v8;
	v8 =	vadd.s32 v0, v7;
	v7 =	vld [tilespmem:s5+$0x60]  }
.LBB2_4:
0x42: {  	s11 =	sshra.s32 s10, $0x2;
	p1 =	sne.s32 s10, $0x9E00;
	[tilespmem:s5+$0x10] =	vst v8;
	v6 =	vadd.s32 v0, v6;
	v8 =	vld [tilespmem:s5+$0x70]  }
0x43: {  	v9 =	vld [tilespmem:s11+$0x0];
	[tilespmem:s5+$0x20] =	vst v6;
	v4 =	vadd.s32 v0, v4  }
0x44: {  	v10 =	vld [tilespmem:s11+$0x10];
	[tilespmem:s5+$0x30] =	vst v4;
	v3 =	vadd.s32 v0, v3  }
.Ltmp3:
0x45: {  	v6 =	vld [tilespmem:s11+$0x20];
	[tilespmem:s5+$0x40] =	vst v3;
	v3 =	vadd.s32 v0, v5;
	(pc) =	sbr.rel @p1 .LBB2_4-.Ltmp3, $4  }
0x46: {  	v4 =	vld [tilespmem:s11+$0x30];
	[tilespmem:s5+$0x50] =	vst v3;
	v5 =	vadd.s32 v0, v7  }
0x47: {  	v3 =	vld [tilespmem:s11+$0x40];
	[tilespmem:s5+$0x60] =	vst v5;
	v7 =	vadd.s32 v0, v8  }
0x48: {  	v8 =	vadd.s32 v0, v9;
	v5 =	vld [tilespmem:s11+$0x50];
	[tilespmem:s5+$0x70] =	vst v7;
	s5 =	smov.u32 s11  }
0x49: {  	s10 =	sadd.s32 $0x200, s10;
	[tilespmem:s5+$0x0] =	vst v8;
	v8 =	vadd.s32 v0, v10;
	v7 =	vld [tilespmem:s5+$0x60]  }
0x4a: {  	[tilespmem:s5+$0x10] =	vst v8;
	v6 =	vadd.s32 v0, v6;
	v63 =	vld [tilespmem:s5+$0x70]  }
0x4b: {  	[tilespmem:s5+$0x20] =	vst v6;
	v4 =	vadd.s32 v0, v4  }
0x4c: {  	[tilespmem:s5+$0x30] =	vst v4;
	v3 =	vadd.s32 v0, v3  }
0x4d: {  	[tilespmem:s5+$0x40] =	vst v3;
	v3 =	vadd.s32 v0, v5  }
0x4e: {  	[tilespmem:s5+$0x50] =	vst v3;
	v3 =	vadd.s32 v0, v7  }
0x4f: {  	[tilespmem:s5+$0x60] =	vst v3;
	v3 =	vadd.s32 v0, v63  }
0x50: {  	[tilespmem:s5+$0x70] =	vst v3  }
0x51: {  	[tilespmem:s29], [sflag:$0x1] =	stream.indirect.gather [hbm4b:s0+s28], $0x40, s13, s28, $0xb8;
	[tilespmem:$0x1C580] =	vst v63  }
0x52: {  	_ = 	snop  }
0x53: {  	[tilespmem:s30], [sflag:$0x2] =	stream.indirect.gather [hbm4b:s0+s28], $0x40, s28, s28, $0xb8;
	[tilespmem:$0x1C580] =	vst v63  }
0x54: {  	s10 =	simm.s32 $0x100;
	s12 =	sshll.u32 s4, $0x6  }
0x55: {  	[tilespmem:s1], [sflag:$0x3] =	stream.indirect.gather [hbm4b:s0+s28], $0x40, s10, s28, $0xb8;
	[tilespmem:$0x1C580] =	vst v63  }
0x56: {  	s11 =	simm.s32 $0x180;
	s24 =	sor.u32 $0x1C0E, s12;
	s13 =	rddreg [dreg:$0x13]  }
0x57: {  	[tilespmem:s9], [sflag:$0x4] =	stream.indirect.gather [hbm4b:s0+s28], $0x40, s11, s28, $0xb8;
	[tilespmem:$0x1C580] =	vst v63  }
0x58: {  	[spmem:s13], [sflag:s24] =	dma.local [hbm:s6], $0x400  }
0x59: {  	_ =	swait.ge [sflag:s14], $0x400  }
0x5a: {  	[sflag:s14] =	ssyncset.done $0x0  }
0x5b: {  	s10 =	simm.s32 $0xD;
	s23 =	rddreg [dreg:$0xe];
	[sflag:s14] =	ssyncadd.s32 $0xFFFFFC00  }
0x5c: {  	[spmem:s23] =	stream.linear.scatter [tilespmem:s15], [sflag:$0xD], $0x800, $0x38;
	[tilespmem:$0x1C580] =	vst v63  }
0x5d: {  	_ =	swait.ge [sflag:s10], $0x800  }
0x5e: {  	[sflag:s10] =	ssyncset.done $0x0  }
0x5f: {  	s25 =	rddreg [dreg:$0x14];
	[sflag:s10] =	ssyncadd.s32 $0xFFFFF800  }
0x60: {  	[spmem:s25], [sflag:s24] =	dma.local [hbm:s6], $0x400  }
0x61: {  	_ =	swait.ge [sflag:s14], $0x400  }
0x62: {  	[sflag:s14] =	ssyncset.done $0x0  }
0x63: {  	s11 =	rddreg [dreg:$0xf];
	[sflag:s14] =	ssyncadd.s32 $0xFFFFFC00  }
0x64: {  	[spmem:s11] =	stream.linear.scatter [tilespmem:s15], [sflag:$0xD], $0x800, $0x38;
	[tilespmem:$0x1C580] =	vst v63  }
0x65: {  	_ =	swait.ge [sflag:s10], $0x800  }
0x66: {  	[sflag:s10] =	ssyncset.done $0x0  }
0x67: {  	s12 =	rddreg [dreg:$0x15];
	[sflag:s10] =	ssyncadd.s32 $0xFFFFF800  }
0x68: {  	[spmem:s12], [sflag:s24] =	dma.local [hbm:s6], $0x400  }
0x69: {  	_ =	swait.ge [sflag:s14], $0x400  }
0x6a: {  	[sflag:s14] =	ssyncset.done $0x0  }
0x6b: {  	s13 =	rddreg [dreg:$0x10];
	[sflag:s14] =	ssyncadd.s32 $0xFFFFFC00  }
0x6c: {  	[spmem:s13] =	stream.linear.scatter [tilespmem:s15], [sflag:$0xD], $0x800, $0x38;
	[tilespmem:$0x1C580] =	vst v63  }
0x6d: {  	_ =	swait.ge [sflag:s10], $0x800  }
0x6e: {  	[sflag:s10] =	ssyncset.done $0x0  }
0x6f: {  	s23 =	rddreg [dreg:$0x16];
	[sflag:s10] =	ssyncadd.s32 $0xFFFFF800  }
0x70: {  	[spmem:s23], [sflag:s24] =	dma.local [hbm:s6], $0x400  }
0x71: {  	_ =	swait.ge [sflag:s14], $0x400  }
0x72: {  	[sflag:s14] =	ssyncset.done $0x0  }
0x73: {  	s25 =	rddreg [dreg:$0x11];
	[sflag:s14] =	ssyncadd.s32 $0xFFFFFC00  }
0x74: {  	[spmem:s25] =	stream.linear.scatter [tilespmem:s15], [sflag:$0xD], $0x800, $0x38;
	[tilespmem:$0x1C580] =	vst v63  }
0x75: {  	_ =	swait.ge [sflag:s10], $0x800  }
0x76: {  	[sflag:s10] =	ssyncset.done $0x0  }
0x77: {  	s5 =	rddreg [dreg:$0x17];
	[sflag:s10] =	ssyncadd.s32 $0xFFFFF800  }
0x78: {  	[spmem:s5], [sflag:s24] =	dma.local @!p0 [hbm:s6], $0x400  }
0x79: {  	s5 =	simm.s32 @!p0 $0xE  }
0x7a: {  	_ =	swait.ge @!p0 [sflag:s5], $0x400  }
0x7b: {  	[sflag:s5] =	ssyncset.done @!p0 $0x0  }
0x7c: {  	s10 =	rddreg [dreg:$0x12];
	[sflag:s5] =	ssyncadd.s32 @!p0 $0xFFFFFC00;
	s5 =	simm.s32 @!p0 $0xF800  }
0x7d: {  	[spmem:s10] =	stream.linear.scatter @!p0 [tilespmem:s5], [sflag:$0xD], $0x800, $0x38;
	[tilespmem:$0x1C580] =	vst v63  }
0x7e: {  	s5 =	simm.s32 @!p0 $0xD  }
0x7f: {  	_ =	swait.ge @!p0 [sflag:s5], $0x800  }
0x80: {  	[sflag:s5] =	ssyncset.done @!p0 $0x0  }
0x81: {  	[sflag:s5] =	ssyncadd.s32 @!p0 $0xFFFFF800  }
0x82: {  	s23 =	simm.s32 $0x0;
	s5 =	simm.s32 $0x600;
	[bflag:$0x0] =	sbarrier.arrive $0xFFFF  }
.LBB2_6:
0x83: {  	_ =	swait.ge [sflag:s16], $0x2000  }
0x84: {  	s10 =	sshra.s32 s5, $0x2;
	p1 =	sne.s32 s5, $0x600;
	[sflag:s16] =	ssyncset.done $0x0  }
0x85: {  	s11 =	sadd.s32 $0x2680, s10;
	s12 =	simm.s32 @p1 $0x9;
	[sflag:s16] =	ssyncadd.s32 $0xFFFFE000  }
0x86: {  	[spmem:s2] =	stream.indirect.scatter.add.f32 [tilespmem:s29], [sflag:$0x5], $0x40, s11, s28, $0xb8;
	[tilespmem:$0x1C580] =	vst v63  }
0x87: {  	_ =	swait.ge @p1 [sflag:s12], $0x800  }
0x88: {  	[sflag:s12] =	ssyncset.done @p1 $0x0  }
0x89: {  	s25 =	simm.s32 @p1 $0xF000;
	[sflag:s12] =	ssyncadd.s32 @p1 $0xFFFFF800;
	s12 =	simm.s32 @p1 $0x80  }
0x8a: {  	[spmem:s3] =	stream.indirect.scatter.add.f32 @p1 [tilespmem:s25], [sflag:$0x9], $0x10, s11, s12, $0xb8;
	[tilespmem:$0x1C580] =	vst v63  }
0x8b: {  	s25 =	simm.s32 @p1 $0x8  }
0x8c: {  	_ =	swait.ge @p1 [sflag:s25], $0x2000  }
0x8d: {  	[sflag:s25] =	ssyncset.done @p1 $0x0  }
0x8e: {  	s13 =	simm.s32 @p1 $0xB000;
	[sflag:s25] =	ssyncadd.s32 @p1 $0xFFFFE000;
	s25 =	sshra.s32 @p1 s5, $0x2  }
0x8f: {  	[tilespmem:s13], [sflag:$0x4] =	stream.indirect.gather @p1 [hbm4b:s0+s12], $0x40, s25, s12, $0xb8;
	[tilespmem:$0x1C580] =	vst v63  }
0x90: {  	s12 =	simm.s32 @!p1 $0x80;
	s13 =	simm.s32 @!p1 $0xF000  }
0x91: {  	[spmem:s3] =	stream.indirect.scatter.add.f32 @!p1 [tilespmem:s13], [sflag:$0x9], $0x10, s11, s12, $0xb8;
	[tilespmem:$0x1C580] =	vst v63  }
0x92: {  	_ =	swait.ge [sflag:s17], $0x2000  }
0x93: {  	p2 =	seq.s32 s5, $0x600;
	[sflag:s17] =	ssyncset.done $0x0  }
0x94: {  	s13 =	sadd.s32 $0x2700, s10;
	s12 =	simm.s32 @!p2 $0xA;
	[sflag:s17] =	ssyncadd.s32 $0xFFFFE000  }
0x95: {  	[spmem:s2] =	stream.indirect.scatter.add.f32 [tilespmem:s30], [sflag:$0x6], $0x40, s13, s28, $0xb8;
	[tilespmem:$0x1C580] =	vst v63  }
0x96: {  	_ =	swait.ge @!p2 [sflag:s12], $0x800  }
0x97: {  	p3 =	seq.s32 s5, $0x9E00;
	[sflag:s12] =	ssyncset.done @!p2 $0x0  }
0x98: {  	s11 =	smin.u32 @!p3 s23, $0x4B;
	[sflag:s12] =	ssyncadd.s32 @!p2 $0xFFFFF800  }
0x99: {  	[spmem:s3] =	stream.indirect.scatter.add.f32 [tilespmem:s26], [sflag:$0xA], $0x10, s13, s28, $0xb8;
	[tilespmem:$0x1C580] =	vst v63  }
0x9a: {  	s11 =	sshll.u32 @!p3 s11, $0x7;
	_ =	swait.ge [sflag:s18], $0x2000  }
0x9b: {  	s11 =	sadd.s32 @!p3 $0x200, s11;
	[sflag:s18] =	ssyncset.done $0x0  }
0x9c: {  	s12 =	simm.s32 @!p3 $0x80;
	s13 =	simm.s32 @!p3 $0x5000;
	[sflag:s18] =	ssyncadd.s32 $0xFFFFE000  }
0x9d: {  	[tilespmem:s13], [sflag:$0x1] =	stream.indirect.gather @!p3 [hbm4b:s0+s12], $0x40, s11, s12, $0xb8;
	[tilespmem:$0x1C580] =	vst v63  }
0x9e: {  	_ =	swait.ge [sflag:s19], $0x2000  }
0x9f: {  	[sflag:s19] =	ssyncset.done $0x0  }
0xa0: {  	s10 =	sadd.s32 $0x2780, s10;
	s11 =	simm.s32 @!p2 $0xB;
	[sflag:s19] =	ssyncadd.s32 $0xFFFFE000  }
0xa1: {  	[spmem:s2] =	stream.indirect.scatter.add.f32 [tilespmem:s1], [sflag:$0x7], $0x40, s10, s28, $0xb8;
	[tilespmem:$0x1C580] =	vst v63  }
0xa2: {  	_ =	swait.ge @!p2 [sflag:s11], $0x800  }
0xa3: {  	[sflag:s11] =	ssyncset.done @!p2 $0x0  }
0xa4: {  	[sflag:s11] =	ssyncadd.s32 @!p2 $0xFFFFF800  }
0xa5: {  	[spmem:s3] =	stream.indirect.scatter.add.f32 [tilespmem:s26], [sflag:$0xB], $0x10, s10, s28, $0xb8;
	[tilespmem:$0x1C580] =	vst v63  }
0xa6: {  	s10 =	smin.u32 @!p3 s23, $0x4A;
	_ =	swait.ge [sflag:s31], $0x2000  }
0xa7: {  	s13 =	smov.u32 s5;
	s10 =	sshll.u32 @!p3 s10, $0x7;
	[sflag:s31] =	ssyncset.done $0x0  }
0xa8: {  	s11 =	simm.s32 @!p3 $0x7000;
	s10 =	sadd.s32 @!p3 $0x280, s10;
	[sflag:s31] =	ssyncadd.s32 $0xFFFFE000  }
0xa9: {  	[tilespmem:s11], [sflag:$0x2] =	stream.indirect.gather @!p3 [hbm4b:s0+s12], $0x40, s10, s12, $0xb8;
	[tilespmem:$0x1C580] =	vst v63  }
0xaa: {  	s13 =	simm.s32 @!p1 $0x600;
	_ =	swait.ge [sflag:s20], $0x2000  }
0xab: {  	s25 =	sshra.s32 s13, $0x2;
	[sflag:s20] =	ssyncset.done $0x0  }
0xac: {  	s10 =	sadd.s32 $0x2800, s25;
	s11 =	simm.s32 @!p2 $0xC;
	[sflag:s20] =	ssyncadd.s32 $0xFFFFE000  }
0xad: {  	[spmem:s2] =	stream.indirect.scatter.add.f32 [tilespmem:s9], [sflag:$0x8], $0x40, s10, s28, $0xb8;
	[tilespmem:$0x1C580] =	vst v63  }
0xae: {  	_ =	swait.ge @!p2 [sflag:s11], $0x800  }
0xaf: {  	[sflag:s11] =	ssyncset.done @!p2 $0x0  }
.Ltmp4:
0xb0: {  	[sflag:s11] =	ssyncadd.s32 @!p2 $0xFFFFF800;
	(pc) =	sbr.rel @p3 .LBB2_8-.Ltmp4, $4  }
0xb1: {  	[spmem:s3] =	stream.indirect.scatter.add.f32 [tilespmem:s26], [sflag:$0xC], $0x10, s10, s28, $0xb8;
	[tilespmem:$0x1C580] =	vst v63  }
0xb2: {  	_ =	swait.ge [sflag:s8], $0x2000  }
0xb3: {  	[sflag:s8] =	ssyncset.done $0x0  }
0xb4: {  	[sflag:s8] =	ssyncadd.s32 $0xFFFFE000  }
.Ltmp5:
0xb5: {  	(pc) =	sbr.rel .LBB2_6-.Ltmp5, $4  }
0xb6: {  	s10 =	smin.u32 s23, $0x49  }
0xb7: {  	s10 =	sshll.u32 s10, $0x7  }
0xb8: {  	s5 =	sadd.s32 $0x800, s5;
	s23 =	sadd.s32 $0x4, s23;
	s10 =	sadd.s32 $0x300, s10  }
0xb9: {  	[tilespmem:s1], [sflag:$0x3] =	stream.indirect.gather [hbm4b:s0+s28], $0x40, s10, s28, $0xb8;
	[tilespmem:$0x1C580] =	vst v63  }
.LBB2_8:
0xba: {  	_ =	swait.ge [sflag:s21], $0x2000  }
0xbb: {  	[sflag:s21] =	ssyncset.done $0x0  }
0xbc: {  	s5 =	simm.s32 $0x9;
	[sflag:s21] =	ssyncadd.s32 $0xFFFFE000  }
0xbd: {  	_ =	swait.ge [sflag:s5], $0x800  }
0xbe: {  	[sflag:s5] =	ssyncset.done $0x0  }
0xbf: {  	s13 =	simm.s32 $0xA;
	[sflag:s5] =	ssyncadd.s32 $0xFFFFF800  }
0xc0: {  	_ =	swait.ge [sflag:s13], $0x800  }
0xc1: {  	[sflag:s13] =	ssyncset.done $0x0  }
0xc2: {  	s23 =	simm.s32 $0xB;
	[sflag:s13] =	ssyncadd.s32 $0xFFFFF800  }
0xc3: {  	_ =	swait.ge [sflag:s23], $0x800  }
0xc4: {  	[sflag:s23] =	ssyncset.done $0x0  }
0xc5: {  	s25 =	simm.s32 $0xC;
	[sflag:s23] =	ssyncadd.s32 $0xFFFFF800  }
0xc6: {  	_ =	swait.ge [sflag:s25], $0x800  }
0xc7: {  	[sflag:s25] =	ssyncset.done $0x0  }
0xc8: {  	s5 =	simm.s32 $0x0;
	[sflag:s25] =	ssyncadd.s32 $0xFFFFF800  }
0xc9: {  	v5 =	vld [tilespmem:s5+$0x0]  }
0xca: {  	v7 =	vld [tilespmem:s5+$0x10]  }
0xcb: {  	v6 =	vld [tilespmem:s5+$0x20]  }
0xcc: {  	v4 =	vld [tilespmem:s5+$0x30]  }
0xcd: {  	v3 =	vld [tilespmem:s5+$0x40]  }
0xce: {  	v8 =	vadd.s32 $0x1, v5;
	v5 =	vld [tilespmem:s5+$0x50]  }
0xcf: {  	s10 =	simm.s32 $0x200;
	[tilespmem:s5+$0x0] =	vst v8;
	v8 =	vadd.s32 $0x1, v7;
	v7 =	vld [tilespmem:s5+$0x60]  }
.LBB2_9:
0xd0: {  	s11 =	sshra.s32 s10, $0x2;
	p1 =	sne.s32 s10, $0x9E00;
	[tilespmem:s5+$0x10] =	vst v8;
	v6 =	vadd.s32 $0x1, v6;
	v8 =	vld [tilespmem:s5+$0x70]  }
0xd1: {  	v9 =	vld [tilespmem:s11+$0x0];
	[tilespmem:s5+$0x20] =	vst v6;
	v4 =	vadd.s32 $0x1, v4  }
0xd2: {  	v10 =	vld [tilespmem:s11+$0x10];
	[tilespmem:s5+$0x30] =	vst v4;
	v3 =	vadd.s32 $0x1, v3  }
.Ltmp6:
0xd3: {  	v6 =	vld [tilespmem:s11+$0x20];
	[tilespmem:s5+$0x40] =	vst v3;
	v3 =	vadd.s32 $0x1, v5;
	(pc) =	sbr.rel @p1 .LBB2_9-.Ltmp6, $4  }
0xd4: {  	v4 =	vld [tilespmem:s11+$0x30];
	[tilespmem:s5+$0x50] =	vst v3;
	v5 =	vadd.s32 $0x1, v7  }
0xd5: {  	v3 =	vld [tilespmem:s11+$0x40];
	[tilespmem:s5+$0x60] =	vst v5;
	v7 =	vadd.s32 $0x1, v8  }
0xd6: {  	v8 =	vadd.s32 $0x1, v9;
	v5 =	vld [tilespmem:s11+$0x50];
	[tilespmem:s5+$0x70] =	vst v7;
	s5 =	smov.u32 s11  }
0xd7: {  	s10 =	sadd.s32 $0x200, s10;
	[tilespmem:s5+$0x0] =	vst v8;
	v8 =	vadd.s32 $0x1, v10;
	v7 =	vld [tilespmem:s5+$0x60]  }
0xd8: {  	[tilespmem:s5+$0x10] =	vst v8;
	v6 =	vadd.s32 $0x1, v6;
	v63 =	vld [tilespmem:s5+$0x70]  }
0xd9: {  	[tilespmem:s5+$0x20] =	vst v6;
	v4 =	vadd.s32 $0x1, v4  }
0xda: {  	[tilespmem:s5+$0x30] =	vst v4;
	v3 =	vadd.s32 $0x1, v3  }
0xdb: {  	[tilespmem:s5+$0x40] =	vst v3;
	v3 =	vadd.s32 $0x1, v5  }
0xdc: {  	[tilespmem:s5+$0x50] =	vst v3;
	v3 =	vadd.s32 $0x1, v7  }
0xdd: {  	[tilespmem:s5+$0x60] =	vst v3;
	v3 =	vadd.s32 $0x1, v63  }
0xde: {  	[tilespmem:s5+$0x70] =	vst v3;
	s5 =	simm.s32 $0x0  }
0xdf: {  	[tilespmem:s29], [sflag:$0x1] =	stream.indirect.gather [hbm4b:s0+s28], $0x40, s5, s28, $0xb8;
	[tilespmem:$0x1C580] =	vst v63  }
0xe0: {  	_ = 	snop  }
0xe1: {  	[tilespmem:s30], [sflag:$0x2] =	stream.indirect.gather [hbm4b:s0+s28], $0x40, s28, s28, $0xb8;
	[tilespmem:$0x1C580] =	vst v63  }
0xe2: {  	s10 =	simm.s32 $0x100  }
0xe3: {  	[tilespmem:s1], [sflag:$0x3] =	stream.indirect.gather [hbm4b:s0+s28], $0x40, s10, s28, $0xb8;
	[tilespmem:$0x1C580] =	vst v63  }
.Ltmp7:
0xe4: {  	_ = 	snop;
	(pc) =	sbr.rel .LBB2_11-.Ltmp7, $3  }
0xe5: {  	s25 =	simm.s32 $0x180  }
0xe6: {  	[tilespmem:s9], [sflag:$0x4] =	stream.indirect.gather [hbm4b:s0+s28], $0x40, s25, s28, $0xb8;
	[tilespmem:$0x1C580] =	vst v63  }
0xe7: {  	[bflag:$0x0] =	sbarrier.arrive $0xFFFF;
	_ =	sdelay $0x1  }
.LBB2_15:
0xe8: {  	s5 =	sadd.s32 $0x1, s5  }
0xe9: {  	p1 =	sne.s32 s5, $0x5  }
.Ltmp8:
0xea: {  	_ = 	snop;
	(pc) =	sbr.rel @!p1 .LBB2_16-.Ltmp8, $1  }
0xeb: {  	_ =	sdelay $0x3  }
.LBB2_11:
0xec: {  	s10 =	sshll.u32 s5, $0x4  }
0xed: {  	s25 =	sor.u32 s4, s10  }
0xee: {  	p1 =	sgt.u32 s25, $0x4E  }
.Ltmp9:
0xef: {  	_ = 	snop;
	(pc) =	sbr.rel @p1 .LBB2_15-.Ltmp9, $1  }
0xf0: {  	_ =	sdelay $0x3  }
0xf1: {  	s23 =	sshll.u32 s25, $0xF  }
0xf2: {  	s10 =	sshrl.u32 s23, $0x2  }
0xf3: {  	s10 =	sadd.s32 s10, s2  }
0xf4: {  	[tilespmem:s22], [sflag:$0xE] =	stream.linear.gather [spmem:s10], $0x2000, $0x38;
	[tilespmem:$0x1C580] =	vst v63  }
0xf5: {  	s11 =	sshll.u32 s25, $0xB;
	_ =	swait.ge [sflag:s14], $0x2000  }
0xf6: {  	s11 =	sand.u32 $0x3FFFF800, s11;
	[sflag:s14] =	ssyncset.done $0x0  }
0xf7: {  	s11 =	sadd.s32 s11, s3;
	[sflag:s14] =	ssyncadd.s32 $0xFFFFE000  }
0xf8: {  	[tilespmem:s15], [sflag:$0xE] =	stream.linear.gather [spmem:s11], $0x800, $0x38;
	[tilespmem:$0x1C580] =	vst v63  }
0xf9: {  	_ =	swait.ge [sflag:s14], $0x800  }
0xfa: {  	[sflag:s14] =	ssyncset.done $0x0  }
0xfb: {  	s10 =	sshrl.u32 s10, $0x3;
	[sflag:s14] =	ssyncadd.s32 $0xFFFFF800  }
0xfc: {  	[spmem:s10], [sflag:s24] =	dma.local [hbm:s6], $0x400  }
0xfd: {  	_ =	swait.ge [sflag:s14], $0x400  }
0xfe: {  	[sflag:s14] =	ssyncset.done $0x0  }
0xff: {  	s13 =	simm.s32 $0x0;
	[sflag:s14] =	ssyncadd.s32 $0xFFFFFC00  }
0x100: {  	v3 =	vld [tilespmem:s13+$0xF800];
	_ =	sdelay $0x4  }
0x101: {  	v3 =	vmax.f32 v3, $1.000000000e+00  }
0x102: {  	(erf) = vrcp.f32 v3;
	_ =	sdelay $0x3  }
0x103: {  	s10 =	simm.s32 $0xD020  }
0x104: {  	v3 =	vld [tilespmem:s10+$0xFFFFFFE0]  }
0x105: {  	v4 =	vld [tilespmem:s10+$0xFFFFFFF0]  }
0x106: {  	v5 =	vld [tilespmem:s10+$0x0]  }
0x107: {  	v6 =	vld [tilespmem:s10+$0x10]  }
0x108: {  	v7 =	vpop (erf)  }
0x109: {  	v3 =	vmul.f32 v7, v3  }
0x10a: {  	v4 =	vmul.f32 v4, v7  }
0x10b: {  	v5 =	vmul.f32 v5, v7;
	[tilespmem:s10+$0xFFFFFFE0] =	vst v3  }
0x10c: {  	v3 =	vmul.f32 v6, v7;
	[tilespmem:s10+$0xFFFFFFF0] =	vst v4  }
0x10d: {  	[tilespmem:s10+$0x0] =	vst v5  }
0x10e: {  	s12 =	simm.s32 $0x10;
	s11 =	simm.s32 $0x80;
	[tilespmem:s10+$0x10] =	vst v3  }
.LBB2_13:
0x10f: {  	p1 =	sne.s32 s11, $0x1FC0;
	v3 =	vld [tilespmem:s12+$0xF800];
	_ =	sdelay $0x4  }
0x110: {  	v3 =	vmax.f32 v3, $1.000000000e+00  }
0x111: {  	(erf) = vrcp.f32 v3;
	_ =	sdelay $0x1  }
0x112: {  	s10 =	sadd.s32 $0x40, s10  }
0x113: {  	v3 =	vld [tilespmem:s10+$0xFFFFFFF0]  }
0x114: {  	v4 =	vld [tilespmem:s10+$0x10]  }
0x115: {  	v5 =	vld [tilespmem:s10+$0xFFFFFFE0]  }
0x116: {  	v6 =	vld [tilespmem:s10+$0x0];
	_ =	sdelay $0x2  }
0x117: {  	v7 =	vpop (erf)  }
0x118: {  	v5 =	vmul.f32 v7, v5;
	v3 =	vmul.f32 v3, v7  }
.Ltmp10:
0x119: {  	v4 =	vmul.f32 v4, v7;
	v6 =	vmul.f32 v6, v7;
	(pc) =	sbr.rel @p1 .LBB2_13-.Ltmp10, $4  }
0x11a: {  	[tilespmem:s10+$0xFFFFFFE0] =	vst v5  }
0x11b: {  	[tilespmem:s10+$0xFFFFFFF0] =	vst v3  }
0x11c: {  	[tilespmem:s10+$0x0] =	vst v6  }
0x11d: {  	s12 =	sshra.s32 s11, $0x2;
	s11 =	sadd.s32 $0x40, s11;
	[tilespmem:s10+$0x10] =	vst v4  }
0x11e: {  	v3 =	vld [tilespmem:s12+$0xF800];
	_ =	sdelay $0x4  }
0x11f: {  	v3 =	vmax.f32 v3, $1.000000000e+00  }
0x120: {  	(erf) = vrcp.f32 v3;
	_ =	sdelay $0x3  }
0x121: {  	s10 =	sadd.s32 $0x40, s10  }
0x122: {  	v3 =	vld [tilespmem:s10+$0xFFFFFFE0]  }
0x123: {  	v4 =	vld [tilespmem:s10+$0xFFFFFFF0]  }
0x124: {  	v5 =	vld [tilespmem:s10+$0x0]  }
0x125: {  	v6 =	vld [tilespmem:s10+$0x10]  }
0x126: {  	v7 =	vpop (erf)  }
0x127: {  	v3 =	vmul.f32 v7, v3  }
0x128: {  	v4 =	vmul.f32 v4, v7  }
0x129: {  	v5 =	vmul.f32 v5, v7;
	[tilespmem:s10+$0xFFFFFFE0] =	vst v3  }
0x12a: {  	v3 =	vmul.f32 v6, v7;
	[tilespmem:s10+$0xFFFFFFF0] =	vst v4  }
0x12b: {  	p1 =	seq.s32 s25, $0x4E;
	s13 =	rddreg [dreg:$0xa];
	[tilespmem:s10+$0x0] =	vst v5  }
0x12c: {  	s11 =	simm.s32 @p1 $0x100;
	s12 =	simm.s32 @p1 $0xD000;
	[tilespmem:s10+$0x10] =	vst v3;
	s10 =	simm.s32 @p1 $0x40  }
0x12d: {  	[hbm4b:s13+s10] =	stream.strided.scatter @p1 [tilespmem:s12], [sflag:$0xD], $0x400, s11, s10, $0x38;
	[tilespmem:$0x1C580] =	vst v63  }
0x12e: {  	s10 =	simm.s32 @p1 $0xD  }
0x12f: {  	_ =	swait.ge @p1 [sflag:s10], $0x400  }
0x130: {  	s11 =	rddreg [dreg:$0x9]  }
0x131: {  	s12 =	simm.s32 @!p1 $0x100;
	s11 =	sor.u32 @!p1 s11, s23  }
0x132: {  	s13 =	simm.s32 @!p1 $0xD000;
	[sflag:s10] =	ssyncset.done @p1 $0x0;
	s11 =	sshrl.u32 @!p1 s11, $0x3  }
0x133: {  	[sflag:s10] =	ssyncadd.s32 @p1 $0xFFFFFC00;
	s10 =	sadd.s32 @!p1 s7, s11;
	s11 =	simm.s32 @!p1 $0x40  }
0x134: {  	[hbm4b:s10+s11] =	stream.strided.scatter @!p1 [tilespmem:s13], [sflag:$0xE], $0x2000, s12, s11, $0x38;
	[tilespmem:$0x1C580] =	vst v63  }
.Ltmp11:
0x135: {  	_ = 	snop;
	(pc) =	sbr.rel .LBB2_15-.Ltmp11, $4  }
0x136: {  	s10 =	simm.s32 @!p1 $0xE  }
0x137: {  	_ =	swait.ge @!p1 [sflag:s10], $0x2000  }
0x138: {  	[sflag:s10] =	ssyncset.done @!p1 $0x0  }
0x139: {  	[sflag:s10] =	ssyncadd.s32 @!p1 $0xFFFFE000  }
.LBB2_16:
0x13a: {  	[bflag:$0x0] =	sbarrier.arrive $0xFFFF  }
0x13b: {  	_ =	swait.ge [sflag:s16], $0x2000  }
0x13c: {  	[sflag:s16] =	ssyncset.done $0x0  }
0x13d: {  	s5 =	simm.s32 $0x2800;
	[sflag:s16] =	ssyncadd.s32 $0xFFFFE000  }
0x13e: {  	[spmem:s2] =	stream.indirect.scatter.add.f32 [tilespmem:s29], [sflag:$0x5], $0x40, s5, s28, $0xb8;
	[tilespmem:$0x1C580] =	vst v63  }
0x13f: {  	_ =	swait.ge [sflag:s17], $0x2000  }
0x140: {  	[sflag:s17] =	ssyncset.done $0x0  }
0x141: {  	s12 =	simm.s32 $0x2880;
	[sflag:s17] =	ssyncadd.s32 $0xFFFFE000  }
0x142: {  	[spmem:s2] =	stream.indirect.scatter.add.f32 [tilespmem:s30], [sflag:$0x6], $0x40, s12, s28, $0xb8;
	[tilespmem:$0x1C580] =	vst v63  }
0x143: {  	_ =	swait.ge [sflag:s18], $0x2000  }
0x144: {  	[sflag:s18] =	ssyncset.done $0x0  }
0x145: {  	s13 =	simm.s32 $0x200;
	[sflag:s18] =	ssyncadd.s32 $0xFFFFE000  }
0x146: {  	[tilespmem:s29], [sflag:$0x1] =	stream.indirect.gather [hbm4b:s0+s28], $0x40, s13, s28, $0xb8;
	[tilespmem:$0x1C580] =	vst v63  }
0x147: {  	_ =	swait.ge [sflag:s19], $0x2000  }
0x148: {  	[sflag:s19] =	ssyncset.done $0x0  }
0x149: {  	s23 =	simm.s32 $0x2900;
	[sflag:s19] =	ssyncadd.s32 $0xFFFFE000  }
0x14a: {  	[spmem:s2] =	stream.indirect.scatter.add.f32 [tilespmem:s1], [sflag:$0x7], $0x40, s23, s28, $0xb8;
	[tilespmem:$0x1C580] =	vst v63  }
0x14b: {  	_ =	swait.ge [sflag:s31], $0x2000  }
0x14c: {  	[sflag:s31] =	ssyncset.done $0x0  }
0x14d: {  	s24 =	simm.s32 $0x280;
	s5 =	simm.s32 $0x4;
	[sflag:s31] =	ssyncadd.s32 $0xFFFFE000  }
0x14e: {  	[tilespmem:s30], [sflag:$0x2] =	stream.indirect.gather [hbm4b:s0+s28], $0x40, s24, s28, $0xb8;
	[tilespmem:$0x1C580] =	vst v63  }
0x14f: {  	_ =	swait.ge [sflag:s5], $0x2000  }
0x150: {  	[sflag:s5] =	ssyncset.done $0x0  }
0x151: {  	s10 =	simm.s32 $0x2980;
	[sflag:s5] =	ssyncadd.s32 $0xFFFFE000  }
0x152: {  	[spmem:s2] =	stream.indirect.scatter.add.f32 [tilespmem:s9], [sflag:$0x8], $0x40, s10, s28, $0xb8;
	[tilespmem:$0x1C580] =	vst v63  }
0x153: {  	_ =	swait.ge [sflag:s8], $0x2000  }
0x154: {  	[sflag:s8] =	ssyncset.done $0x0  }
0x155: {  	s25 =	simm.s32 $0x300;
	[sflag:s8] =	ssyncadd.s32 $0xFFFFE000  }
0x156: {  	[tilespmem:s1], [sflag:$0x3] =	stream.indirect.gather [hbm4b:s0+s28], $0x40, s25, s28, $0xb8;
	[tilespmem:$0x1C580] =	vst v63  }
0x157: {  	s23 =	simm.s32 $0x0;
	s25 =	rddreg [dreg:$0xb]  }
.LBB2_17:
0x158: {  	_ =	swait.ge [sflag:s16], $0x2000  }
0x159: {  	s10 =	sshra.s32 s23, $0x2;
	[sflag:s16] =	ssyncset.done $0x0  }
0x15a: {  	s11 =	sadd.s32 $0x2A00, s10;
	[sflag:s16] =	ssyncadd.s32 $0xFFFFE000  }
0x15b: {  	[spmem:s2] =	stream.indirect.scatter.add.f32 [tilespmem:s29], [sflag:$0x5], $0x40, s11, s28, $0xb8;
	[tilespmem:$0x1C580] =	vst v63  }
0x15c: {  	_ =	swait.ge [sflag:s21], $0x2000  }
0x15d: {  	[sflag:s21] =	ssyncset.done $0x0  }
0x15e: {  	s13 =	sadd.s32 $0x380, s10;
	[sflag:s21] =	ssyncadd.s32 $0xFFFFE000  }
0x15f: {  	[tilespmem:s9], [sflag:$0x4] =	stream.indirect.gather [hbm4b:s0+s28], $0x40, s13, s28, $0xb8;
	[tilespmem:$0x1C580] =	vst v63  }
0x160: {  	_ =	swait.ge [sflag:s17], $0x2000  }
0x161: {  	[sflag:s17] =	ssyncset.done $0x0  }
0x162: {  	s24 =	sadd.s32 $0x2A80, s10;
	[sflag:s17] =	ssyncadd.s32 $0xFFFFE000  }
0x163: {  	[spmem:s2] =	stream.indirect.scatter.add.f32 [tilespmem:s30], [sflag:$0x6], $0x40, s24, s28, $0xb8;
	[tilespmem:$0x1C580] =	vst v63  }
0x164: {  	_ =	swait.ge [sflag:s18], $0x2000  }
0x165: {  	p1 =	seq.s32 s23, $0x9000;
	[sflag:s18] =	ssyncset.done $0x0  }
0x166: {  	s11 =	simm.s32 @p1 $0x3;
	[sflag:s18] =	ssyncadd.s32 $0xFFFFE000  }
0x167: {  	_ =	swait.ge @p1 [sflag:s11], $0x2000  }
0x168: {  	[sflag:s11] =	ssyncset.done @p1 $0x0  }
0x169: {  	[sflag:s11] =	ssyncadd.s32 @p1 $0xFFFFE000;
	s11 =	sshra.s32 @p1 s23, $0x2  }
0x16a: {  	s12 =	simm.s32 @p1 $0x80;
	s13 =	simm.s32 @p1 $0x9000;
	s11 =	sadd.s32 @p1 $0x2B00, s11  }
0x16b: {  	[spmem:s2] =	stream.indirect.scatter.add.f32 @p1 [tilespmem:s13], [sflag:$0x7], $0x40, s11, s12, $0xb8;
	[tilespmem:$0x1C580] =	vst v63  }
0x16c: {  	s11 =	simm.s32 @p1 $0x6  }
0x16d: {  	_ =	swait.ge @p1 [sflag:s11], $0x2000  }
0x16e: {  	s12 =	smin.u32 @!p1 s5, $0x4B;
	[sflag:s11] =	ssyncset.done @p1 $0x0  }
0x16f: {  	[sflag:s11] =	ssyncadd.s32 @p1 $0xFFFFE000;
	s11 =	sshll.u32 @!p1 s12, $0x7  }
0x170: {  	s13 =	simm.s32 @!p1 $0x5000;
	s12 =	simm.s32 @!p1 $0x80;
	s11 =	sadd.s32 @!p1 $0x200, s11  }
0x171: {  	[tilespmem:s13], [sflag:$0x1] =	stream.indirect.gather @!p1 [hbm4b:s0+s12], $0x40, s11, s12, $0xb8;
	[tilespmem:$0x1C580] =	vst v63  }
0x172: {  	s11 =	simm.s32 @!p1 $0x3  }
0x173: {  	_ =	swait.ge @!p1 [sflag:s11], $0x2000  }
0x174: {  	s13 =	sshra.s32 @!p1 s23, $0x2;
	[sflag:s11] =	ssyncset.done @!p1 $0x0  }
0x175: {  	[sflag:s11] =	ssyncadd.s32 @!p1 $0xFFFFE000;
	s11 =	sadd.s32 @!p1 $0x2B00, s13;
	s13 =	simm.s32 @!p1 $0x9000  }
0x176: {  	[spmem:s2] =	stream.indirect.scatter.add.f32 @!p1 [tilespmem:s13], [sflag:$0x7], $0x40, s11, s12, $0xb8;
	[tilespmem:$0x1C580] =	vst v63  }
0x177: {  	s11 =	simm.s32 @!p1 $0x6  }
0x178: {  	s13 =	smin.u32 @!p1 s5, $0x4A;
	_ =	swait.ge @!p1 [sflag:s11], $0x2000  }
0x179: {  	s13 =	sshll.u32 @!p1 s13, $0x7;
	[sflag:s11] =	ssyncset.done @!p1 $0x0  }
0x17a: {  	[sflag:s11] =	ssyncadd.s32 @!p1 $0xFFFFE000;
	s11 =	sadd.s32 @!p1 $0x280, s13;
	s13 =	simm.s32 @!p1 $0x7000  }
0x17b: {  	[tilespmem:s13], [sflag:$0x2] =	stream.indirect.gather @!p1 [hbm4b:s0+s12], $0x40, s11, s12, $0xb8;
	[tilespmem:$0x1C580] =	vst v63  }
0x17c: {  	_ =	swait.ge [sflag:s20], $0x2000  }
0x17d: {  	[sflag:s20] =	ssyncset.done $0x0  }
.Ltmp12:
0x17e: {  	s10 =	sadd.s32 $0x2B80, s10;
	[sflag:s20] =	ssyncadd.s32 $0xFFFFE000;
	(pc) =	sbr.rel @p1 .LBB2_19-.Ltmp12, $4  }
0x17f: {  	[spmem:s2] =	stream.indirect.scatter.add.f32 [tilespmem:s9], [sflag:$0x8], $0x40, s10, s28, $0xb8;
	[tilespmem:$0x1C580] =	vst v63  }
0x180: {  	_ =	swait.ge [sflag:s8], $0x2000  }
0x181: {  	[sflag:s8] =	ssyncset.done $0x0  }
0x182: {  	[sflag:s8] =	ssyncadd.s32 $0xFFFFE000  }
.Ltmp13:
0x183: {  	(pc) =	sbr.rel .LBB2_17-.Ltmp13, $4  }
0x184: {  	s10 =	smin.u32 s5, $0x49  }
0x185: {  	s10 =	sshll.u32 s10, $0x7  }
0x186: {  	s23 =	sadd.s32 $0x800, s23;
	s5 =	sadd.s32 $0x4, s5;
	s10 =	sadd.s32 $0x300, s10  }
0x187: {  	[tilespmem:s1], [sflag:$0x3] =	stream.indirect.gather [hbm4b:s0+s28], $0x40, s10, s28, $0xb8;
	[tilespmem:$0x1C580] =	vst v63  }
.LBB2_19:
.Ltmp14:
0x188: {  	_ =	swait.ge [sflag:s21], $0x2000;
	(pc) =	sbr.rel .LBB2_20-.Ltmp14, $4  }
0x189: {  	[sflag:s21] =	ssyncset.done $0x0  }
0x18a: {  	[sflag:s21] =	ssyncadd.s32 $0xFFFFE000  }
0x18b: {  	[bflag:$0x0] =	sbarrier.arrive $0xFFFF  }
0x18c: {  	s5 =	simm.s32 $0x0  }
.LBB2_24:
0x18d: {  	s5 =	sadd.s32 $0x1, s5  }
0x18e: {  	p1 =	sne.s32 s5, $0x5  }
.Ltmp15:
0x18f: {  	_ = 	snop;
	(pc) =	sbr.rel @!p1 .LBB2_25-.Ltmp15, $1  }
0x190: {  	_ =	sdelay $0x3  }
.LBB2_20:
0x191: {  	s10 =	sshll.u32 s5, $0x4  }
0x192: {  	s24 =	sor.u32 s4, s10  }
0x193: {  	p1 =	sgt.u32 s24, $0x4E  }
.Ltmp16:
0x194: {  	_ = 	snop;
	(pc) =	sbr.rel @p1 .LBB2_24-.Ltmp16, $1  }
0x195: {  	_ =	sdelay $0x3  }
0x196: {  	s23 =	sshll.u32 s24, $0xF  }
0x197: {  	s10 =	sshrl.u32 s23, $0x2  }
0x198: {  	s10 =	sadd.s32 s10, s2  }
0x199: {  	[tilespmem:s22], [sflag:$0xE] =	stream.linear.gather [spmem:s10], $0x2000, $0x38;
	[tilespmem:$0x1C580] =	vst v63  }
0x19a: {  	s12 =	sshll.u32 s24, $0xB;
	_ =	swait.ge [sflag:s14], $0x2000  }
0x19b: {  	s10 =	sand.u32 $0x3FFFF800, s12;
	[sflag:s14] =	ssyncset.done $0x0  }
0x19c: {  	s10 =	sadd.s32 s10, s3;
	[sflag:s14] =	ssyncadd.s32 $0xFFFFE000  }
0x19d: {  	[tilespmem:s15], [sflag:$0xE] =	stream.linear.gather [spmem:s10], $0x800, $0x38;
	[tilespmem:$0x1C580] =	vst v63  }
0x19e: {  	_ =	swait.ge [sflag:s14], $0x800  }
0x19f: {  	[sflag:s14] =	ssyncset.done $0x0  }
0x1a0: {  	s13 =	simm.s32 $0x0;
	[sflag:s14] =	ssyncadd.s32 $0xFFFFF800  }
0x1a1: {  	v3 =	vld [tilespmem:s13+$0xF800];
	_ =	sdelay $0x4  }
0x1a2: {  	v3 =	vmax.f32 v3, $1.000000000e+00  }
0x1a3: {  	(erf) = vrcp.f32 v3;
	_ =	sdelay $0x3  }
0x1a4: {  	s10 =	simm.s32 $0xD020  }
0x1a5: {  	v3 =	vld [tilespmem:s10+$0xFFFFFFE0]  }
0x1a6: {  	v4 =	vld [tilespmem:s10+$0xFFFFFFF0]  }
0x1a7: {  	v5 =	vld [tilespmem:s10+$0x0]  }
0x1a8: {  	v6 =	vld [tilespmem:s10+$0x10]  }
0x1a9: {  	v7 =	vpop (erf)  }
0x1aa: {  	v3 =	vmul.f32 v7, v3  }
0x1ab: {  	v4 =	vmul.f32 v4, v7  }
0x1ac: {  	v5 =	vmul.f32 v5, v7;
	[tilespmem:s10+$0xFFFFFFE0] =	vst v3  }
0x1ad: {  	v3 =	vmul.f32 v6, v7;
	[tilespmem:s10+$0xFFFFFFF0] =	vst v4  }
0x1ae: {  	[tilespmem:s10+$0x0] =	vst v5  }
0x1af: {  	s11 =	simm.s32 $0x80;
	s12 =	simm.s32 $0x10;
	[tilespmem:s10+$0x10] =	vst v3  }
.LBB2_22:
0x1b0: {  	p1 =	sne.s32 s11, $0x1FC0;
	v3 =	vld [tilespmem:s12+$0xF800];
	_ =	sdelay $0x4  }
0x1b1: {  	v3 =	vmax.f32 v3, $1.000000000e+00  }
0x1b2: {  	(erf) = vrcp.f32 v3;
	_ =	sdelay $0x1  }
0x1b3: {  	s10 =	sadd.s32 $0x40, s10  }
0x1b4: {  	v3 =	vld [tilespmem:s10+$0xFFFFFFF0]  }
0x1b5: {  	v4 =	vld [tilespmem:s10+$0x10]  }
0x1b6: {  	v5 =	vld [tilespmem:s10+$0xFFFFFFE0]  }
0x1b7: {  	v6 =	vld [tilespmem:s10+$0x0];
	_ =	sdelay $0x2  }
0x1b8: {  	v7 =	vpop (erf)  }
0x1b9: {  	v5 =	vmul.f32 v7, v5;
	v3 =	vmul.f32 v3, v7  }
.Ltmp17:
0x1ba: {  	v4 =	vmul.f32 v4, v7;
	v6 =	vmul.f32 v6, v7;
	(pc) =	sbr.rel @p1 .LBB2_22-.Ltmp17, $4  }
0x1bb: {  	[tilespmem:s10+$0xFFFFFFE0] =	vst v5  }
0x1bc: {  	[tilespmem:s10+$0xFFFFFFF0] =	vst v3  }
0x1bd: {  	[tilespmem:s10+$0x0] =	vst v6  }
0x1be: {  	s12 =	sshra.s32 s11, $0x2;
	s11 =	sadd.s32 $0x40, s11;
	[tilespmem:s10+$0x10] =	vst v4  }
0x1bf: {  	v3 =	vld [tilespmem:s12+$0xF800];
	_ =	sdelay $0x4  }
0x1c0: {  	v3 =	vmax.f32 v3, $1.000000000e+00  }
0x1c1: {  	(erf) = vrcp.f32 v3;
	_ =	sdelay $0x3  }
0x1c2: {  	s10 =	sadd.s32 $0x40, s10  }
0x1c3: {  	v3 =	vld [tilespmem:s10+$0xFFFFFFE0]  }
0x1c4: {  	v4 =	vld [tilespmem:s10+$0xFFFFFFF0]  }
0x1c5: {  	v5 =	vld [tilespmem:s10+$0x0]  }
0x1c6: {  	v6 =	vld [tilespmem:s10+$0x10]  }
0x1c7: {  	v7 =	vpop (erf)  }
0x1c8: {  	v3 =	vmul.f32 v7, v3  }
0x1c9: {  	v4 =	vmul.f32 v4, v7  }
0x1ca: {  	v5 =	vmul.f32 v5, v7;
	[tilespmem:s10+$0xFFFFFFE0] =	vst v3  }
0x1cb: {  	v3 =	vmul.f32 v6, v7;
	[tilespmem:s10+$0xFFFFFFF0] =	vst v4  }
0x1cc: {  	p1 =	seq.s32 s24, $0x4E;
	s13 =	rddreg [dreg:$0xc];
	[tilespmem:s10+$0x0] =	vst v5  }
0x1cd: {  	s11 =	simm.s32 @p1 $0x100;
	s12 =	simm.s32 @p1 $0xD000;
	[tilespmem:s10+$0x10] =	vst v3;
	s10 =	simm.s32 @p1 $0x40  }
0x1ce: {  	[hbm4b:s13+s10] =	stream.strided.scatter @p1 [tilespmem:s12], [sflag:$0xD], $0x400, s11, s10, $0x38;
	[tilespmem:$0x1C580] =	vst v63  }
0x1cf: {  	s10 =	simm.s32 @p1 $0xD  }
0x1d0: {  	s11 =	sor.u32 @!p1 s25, s23;
	s12 =	simm.s32 @!p1 $0x100;
	_ =	swait.ge @p1 [sflag:s10], $0x400  }
0x1d1: {  	s13 =	simm.s32 @!p1 $0xD000;
	s11 =	sshrl.u32 @!p1 s11, $0x3;
	[sflag:s10] =	ssyncset.done @p1 $0x0  }
0x1d2: {  	[sflag:s10] =	ssyncadd.s32 @p1 $0xFFFFFC00;
	s10 =	sadd.s32 @!p1 s7, s11;
	s11 =	simm.s32 @!p1 $0x40  }
0x1d3: {  	[hbm4b:s10+s11] =	stream.strided.scatter @!p1 [tilespmem:s13], [sflag:$0xE], $0x2000, s12, s11, $0x38;
	[tilespmem:$0x1C580] =	vst v63  }
.Ltmp18:
0x1d4: {  	_ = 	snop;
	(pc) =	sbr.rel .LBB2_24-.Ltmp18, $4  }
0x1d5: {  	s10 =	simm.s32 @!p1 $0xE  }
0x1d6: {  	_ =	swait.ge @!p1 [sflag:s10], $0x2000  }
0x1d7: {  	[sflag:s10] =	ssyncset.done @!p1 $0x0  }
0x1d8: {  	[sflag:s10] =	ssyncadd.s32 @!p1 $0xFFFFE000  }
.LBB2_26:
0x1d9: {  	_ =	sfence.sel $0x180000  }
0x1da: {  	[bflag:$0x0] =	sbarrier.arrive $0xFFFF  }
0x1db: {  	_ =	strace $0x90000047  }
0x1dc: {  	[bflag:$0x2] =	sbarrier.arrive $0xFFFF  }
0x1dd: {  	p0 =	sne.s32 s4, $0x0;
	s0 =	rddreg [dreg:$0x6]  }
0x1de: {  	s0 =	sadd.s32 @!p0 $0x100000, s0  }
0x1df: {  	[sflag:s0] =	ssyncadd.tile.s32 @!p0 $0x1;
	_ =	shalt  }
.Lfunc_end2:
_tile_overlayer_lowered:
.L_overlay_start_2:
0x1e0: {  	(tag) =	ssettag $0x2  }
0x1e1: {  	s0 =	rddreg [dreg:$0x0];
	s2 =	stileid.u32  }
0x1e2: {  	s1 =	rddreg [dreg:$0x1];
	p0 =	sne.s32 s2, $0x0  }
0x1e3: {  	s3 =	rddreg [dreg:$0x2];
	[bflag:$0x3] =	sbarrier.arrive $0xFFFF;
	s2 =	simm.s32 @!p0 $0x1C0D  }
0x1e4: {  	[timem:s3], [sflag:s2] =	dma.local @!p0 [hbm:s0], s1  }
0x1e5: {  	s0 =	simm.s32 @!p0 $0xD  }
0x1e6: {  	_ =	swait.ge @!p0 [sflag:s0], s1  }
0x1e7: {  	s1 =	ssub.s32 @!p0 $0x0, s1;
	[sflag:s0] =	ssyncset.done @!p0 $0x0  }
0x1e8: {  	[sflag:s0] =	ssyncadd.s32 @!p0 s1  }
0x1e9: {  	[bflag:$0x3] =	sbarrier.arrive $0xFFFF  }
0x1ea: {  	_ =	shalt  }

</sc_bundles>
